<compile_context>
chip_gen: v7x
topology: tpu7x:2x2x1
jax: 0.10.2.dev20260603
libtpu: 0.0.44.dev20260713+nightly
codegen_flags: <defaults>
</compile_context>

<pallas_src>
import functools

import jax
import jax.numpy as jnp
from jax import lax
from jax.experimental import pallas as pl
from jax.experimental.pallas import tpu as pltpu
from jax.experimental.pallas import tpu_sc as plsc

_VOCAB = 49408
_DENSE = 768
_BATCH = 1024
_SEQ = 77
_SEQ_PAD = 80

_NW = 32
_ROWS_PER_W = _BATCH // _NW
_LANES = 16
_CHUNKS = _SEQ_PAD // _LANES
_BUF = _VOCAB + _LANES


def _tok_tc_kernel(lhs_ref, mask_ref, w_ref, b_ref, ids_ref, tok_ref, eid_ref):
    x = lhs_ref[...]
    w = w_ref[...]
    z = jnp.sum(x * w[None, :, :], axis=-1) + b_ref[0, 0]
    tw = jnp.log1p(jnp.maximum(z, 0.0)) * mask_ref[...]
    tok_ref[...] = tw
    ids = ids_ref[...]
    eq = ids[:, :, None] == ids[:, None, :]
    later = (
        lax.broadcasted_iota(jnp.int32, eq.shape, 2)
        > lax.broadcasted_iota(jnp.int32, eq.shape, 1)
    )
    dup_later = jnp.max(jnp.where(eq & later, 1, 0), axis=-1)
    eid_ref[...] = jnp.where(dup_later == 1, jnp.int32(_VOCAB), ids)


def _compute_tok(lhs, mask, W, b, ids):
    bb = 8
    grid = (_BATCH // bb,)
    return pl.pallas_call(
        _tok_tc_kernel,
        grid=grid,
        in_specs=[
            pl.BlockSpec((bb, _SEQ, _DENSE), lambda i: (i, 0, 0)),
            pl.BlockSpec((bb, _SEQ), lambda i: (i, 0)),
            pl.BlockSpec((1, _DENSE), lambda i: (0, 0)),
            pl.BlockSpec((1, 1), lambda i: (0, 0)),
            pl.BlockSpec((bb, _SEQ), lambda i: (i, 0)),
        ],
        out_specs=[
            pl.BlockSpec((bb, _SEQ), lambda i: (i, 0)),
            pl.BlockSpec((bb, _SEQ), lambda i: (i, 0)),
        ],
        out_shape=[
            jax.ShapeDtypeStruct((_BATCH, _SEQ), jnp.float32),
            jax.ShapeDtypeStruct((_BATCH, _SEQ), jnp.int32),
        ],
    )(lhs, mask, W, b.reshape(1, 1), ids)


def _sc_scatter(tok80, eid80):
    mesh = plsc.VectorSubcoreMesh(core_axis_name="c", subcore_axis_name="s")

    @functools.partial(
        pl.kernel,
        out_type=jax.ShapeDtypeStruct((_BATCH, _VOCAB), jnp.float32),
        mesh=mesh,
        compiler_params=pltpu.CompilerParams(needs_layout_passes=False),
        scratch_types=[
            pltpu.VMEM((_BUF,), jnp.float32),
            pltpu.VMEM((_BUF,), jnp.float32),
            pltpu.VMEM((_SEQ_PAD,), jnp.int32),
            pltpu.VMEM((_SEQ_PAD,), jnp.int32),
            pltpu.VMEM((_SEQ_PAD,), jnp.float32),
            pltpu.VMEM((_SEQ_PAD,), jnp.float32),
            pltpu.SemaphoreType.DMA,
            pltpu.SemaphoreType.DMA,
        ],
    )
    def run(tok_hbm, eid_hbm, out_hbm, buf0, buf1, ids0, ids1, tw0, tw1, sem0, sem1):
        ncores = 2
        wid = lax.axis_index("s") * ncores + lax.axis_index("c")
        base = wid * _ROWS_PER_W
        zeros = jnp.zeros((_LANES,), jnp.float32)
        lane = lax.iota(jnp.int32, _LANES)

        def zero_bufs(i, _):
            buf0[pl.ds(i * _LANES, _LANES)] = zeros
            buf1[pl.ds(i * _LANES, _LANES)] = zeros
            return _

        lax.fori_loop(0, _BUF // _LANES, zero_bufs, None)

        def eff_idx(ids_v, j):
            idx = ids_v[pl.ds(j * _LANES, _LANES)]
            return jnp.where(idx == _VOCAB, _VOCAB + lane, idx)

        def stage_and_scatter(row, buf, ids_v, tw_v, sem):
            pltpu.sync_copy(eid_hbm.at[row], ids_v)
            pltpu.sync_copy(tok_hbm.at[row], tw_v)
            for j in range(_CHUNKS):
                plsc.store_scatter(
                    buf, [eff_idx(ids_v, j)], tw_v[pl.ds(j * _LANES, _LANES)]
                )
            pltpu.async_copy(buf.at[pl.ds(0, _VOCAB)], out_hbm.at[row], sem)

        def wait_and_restore(row_prev, buf, ids_v, sem):
            pltpu.make_async_copy(
                buf.at[pl.ds(0, _VOCAB)], out_hbm.at[row_prev], sem
            ).wait()
            for j in range(_CHUNKS):
                plsc.store_scatter(buf, [eff_idx(ids_v, j)], zeros)

        stage_and_scatter(base, buf0, ids0, tw0, sem0)
        stage_and_scatter(base + 1, buf1, ids1, tw1, sem1)

        def body(i, _):
            r0 = base + 2 * i
            wait_and_restore(r0 - 2, buf0, ids0, sem0)
            stage_and_scatter(r0, buf0, ids0, tw0, sem0)
            wait_and_restore(r0 - 1, buf1, ids1, sem1)
            stage_and_scatter(r0 + 1, buf1, ids1, tw1, sem1)
            return _

        lax.fori_loop(1, _ROWS_PER_W // 2, body, None)

        last0 = base + _ROWS_PER_W - 2
        pltpu.make_async_copy(buf0.at[pl.ds(0, _VOCAB)], out_hbm.at[last0], sem0).wait()
        pltpu.make_async_copy(
            buf1.at[pl.ds(0, _VOCAB)], out_hbm.at[last0 + 1], sem1
        ).wait()

    return run(tok80, eid80)


def kernel(last_hidden_states, attention_mask, W, b, input_ids):
    ids = input_ids.astype(jnp.int32)
    tok, eid = _compute_tok(last_hidden_states, attention_mask, W, b, ids)
    tok80 = jnp.pad(tok, ((0, 0), (0, _SEQ_PAD - _SEQ)))
    eid80 = jnp.pad(
        eid, ((0, 0), (0, _SEQ_PAD - _SEQ)), constant_values=jnp.int32(_VOCAB)
    )
    lex = _sc_scatter(tok80, eid80)
    rows = jnp.broadcast_to(jnp.arange(_BATCH)[:, None], ids.shape)
    return lex.at[rows, ids].set(tok)

# --- scband reference (transcript-rebuilt; emitter-appended) ---
"""Pipeline reference for scband-mlp-5394478924152 (READ-ONLY COPY).

The authoritative reference and input builder live on the scoring server;
editing this copy changes nothing except your own understanding.
"""

import jax, jax.numpy as jnp
import numpy as np

VOCAB_SIZE = 49408
DENSE_SIZE = 768
BATCH = 1024
SEQ = 77


def setup_inputs(seed: int = 0) -> dict:
    key = jax.random.key(seed)
    k1, k2, k3, k4 = jax.random.split(key, 4)
    last_hidden_states = jax.random.normal(k1, (BATCH, SEQ, DENSE_SIZE), dtype=jnp.float32)
    input_ids = jax.random.randint(k2, (BATCH, SEQ), 0, VOCAB_SIZE, dtype=jnp.int32)
    attention_mask = jnp.ones((BATCH, SEQ), dtype=jnp.float32)
    # nn.Linear(dense_size, 1) with kaiming_normal_ (relu): std = sqrt(2 / fan_in)
    W = jax.random.normal(k3, (1, DENSE_SIZE), dtype=jnp.float32) * np.sqrt(2.0 / DENSE_SIZE)
    b = jax.random.uniform(k4, (1,), dtype=jnp.float32,
                           minval=-1.0 / np.sqrt(DENSE_SIZE), maxval=1.0 / np.sqrt(DENSE_SIZE))
    return {
        "last_hidden_states": last_hidden_states,
        "attention_mask": attention_mask,
        "W": W,
        "b": b,
        "input_ids": input_ids,
    }


def reference(last_hidden_states, attention_mask, W, b, input_ids):
    batch_size = last_hidden_states.shape[0]
    # linear -> relu -> log1p -> squeeze(-1), masked by attention_mask
    logits = jnp.einsum('bsd,od->bso', last_hidden_states, W) + b  # [B, S, 1]
    tok_weights = jnp.log1p(jax.nn.relu(logits))[..., 0] * attention_mask  # [B, S]
    # scatter-overwrite into dense [B, vocab] lexicon weights
    rows = jnp.broadcast_to(jnp.arange(batch_size)[:, None], input_ids.shape)  # [B, S]
    lex_weights = jnp.zeros((batch_size, VOCAB_SIZE), dtype=tok_weights.dtype)
    lex_weights = lex_weights.at[rows, input_ids.astype(jnp.int32)].set(tok_weights)
    return lex_weights

if __name__ == "__main__":
    import jax
    _d = setup_inputs()
    print(jax.jit(kernel)(*tuple(_d.values())))

</pallas_src>

<mosaic_0001>
#map = affine_map<(d0, d1) -> (0, 0)>
module attributes {stable_mosaic.version = 14 : i64} {
  func.func @run(%arg0: i32, %arg1: i32, %arg2: memref<1024x80xf32, #tpu.memory_space<hbm>>, %arg3: memref<1024x80xi32, #tpu.memory_space<hbm>>, %arg4: memref<1024x49408xf32, #tpu.memory_space<hbm>>, %arg5: memref<49424xf32, #tpu.memory_space<vmem>>, %arg6: memref<49424xf32, #tpu.memory_space<vmem>>, %arg7: memref<80xi32, #tpu.memory_space<vmem>>, %arg8: memref<80xi32, #tpu.memory_space<vmem>>, %arg9: memref<80xf32, #tpu.memory_space<vmem>>, %arg10: memref<80xf32, #tpu.memory_space<vmem>>, %arg11: memref<!tpu.dma_semaphore, #tpu.memory_space<semaphore_mem>>, %arg12: memref<!tpu.dma_semaphore, #tpu.memory_space<semaphore_mem>>) attributes {dimension_semantics = [#tpu.dimension_semantics<core_parallel>, #tpu.dimension_semantics<subcore_parallel>], iteration_bounds = array<i64: 2, 16>, scalar_prefetch = 0 : i64, scratch_operands = 8 : i64, tpu.core_type = #tpu.core_type<sc_vector_subcore>, window_params = [{transform_indices = #map}, {transform_indices = #map}, {transform_indices = #map}]} {
    %mul3A = arith.constant 2 : i32
    %mul3A_0 = arith.muli %arg1, %mul3A : i32
    %add3A = arith.addi %mul3A_0, %arg0 : i32
    %mul3A_1 = arith.constant 32 : i32
    %mul3A_2 = arith.muli %add3A, %mul3A_1 : i32
    %broadcast_in_dim3A = arith.constant 0.000000e+00 : f32
    %broadcast_in_dim3A_3 = vector.broadcast %broadcast_in_dim3A : f32 to vector<16xf32>
    %iota3A = tpu.iota {dimensions = array<i32: 0>} : vector<16xi32>
    %scan3A = arith.constant 0 : i32
    %scan3A_4 = arith.constant 3089 : i32
    %scan3A_5 = arith.addi %scan3A, %scan3A_4 : i32
    %scan3A_6 = arith.constant 1 : i32
    scf.for %scan3A_165 = %scan3A to %scan3A_5 step %scan3A_6  : i32 {
      %mul3A_166 = arith.constant 16 : i32
      %mul3A_167 = arith.muli %scan3A_165, %mul3A_166 : i32
      %swap3A = arith.index_cast %mul3A_167 : i32 to index
      %swap3A_168 = tpu.vector_load %arg5[%swap3A] {strides = array<i32>} : memref<49424xf32, #tpu.memory_space<vmem>>, vector<16xf32>,
      tpu.vector_store %arg5[%swap3A], %broadcast_in_dim3A_3 {strides = array<i32>} : memref<49424xf32, #tpu.memory_space<vmem>>, vector<16xf32>,
      %mul3A_169 = arith.constant 16 : i32
      %mul3A_170 = arith.muli %scan3A_165, %mul3A_169 : i32
      %swap3A_171 = arith.index_cast %mul3A_170 : i32 to index
      %swap3A_172 = tpu.vector_load %arg6[%swap3A_171] {strides = array<i32>} : memref<49424xf32, #tpu.memory_space<vmem>>, vector<16xf32>,
      tpu.vector_store %arg6[%swap3A_171], %broadcast_in_dim3A_3 {strides = array<i32>} : memref<49424xf32, #tpu.memory_space<vmem>>, vector<16xf32>,
    }
    %scan3A_7 = arith.constant 3089 : i32
    "tpu.region"() ({
      %run_scoped3A = tpu.sem_alloc : memref<!tpu.dma_semaphore, #tpu.memory_space<semaphore_mem>>
      %dma_start3A_165 = arith.constant 0 : i32
      %dma_start3A_166 = tpu.memref_slice %arg3[%mul3A_2, %dma_start3A_165] : memref<1024x80xi32, #tpu.memory_space<hbm>> -> memref<1x80xi32, #tpu.memory_space<hbm>>
      %dma_start3A_167 = tpu.memref_squeeze %dma_start3A_166 : memref<1x80xi32, #tpu.memory_space<hbm>> -> memref<80xi32, #tpu.memory_space<hbm>>
      %dma_start3A_168 = arith.constant 0 : i32
      %dma_start3A_169 = tpu.memref_slice %arg3[%mul3A_2, %dma_start3A_168] : memref<1024x80xi32, #tpu.memory_space<hbm>> -> memref<1x80xi32, #tpu.memory_space<hbm>>
      %dma_start3A_170 = tpu.memref_squeeze %dma_start3A_169 : memref<1x80xi32, #tpu.memory_space<hbm>> -> memref<80xi32, #tpu.memory_space<hbm>>
      tpu.enqueue_dma source(%dma_start3A_170 : memref<80xi32, #tpu.memory_space<hbm>>) target(%arg7 : memref<80xi32, #tpu.memory_space<vmem>>) target_semaphore(%run_scoped3A : memref<!tpu.dma_semaphore, #tpu.memory_space<semaphore_mem>>)
      %dma_wait3A_171 = arith.constant 0 : i32
      %dma_wait3A_172 = tpu.memref_slice %arg3[%mul3A_2, %dma_wait3A_171] : memref<1024x80xi32, #tpu.memory_space<hbm>> -> memref<1x80xi32, #tpu.memory_space<hbm>>
      %dma_wait3A_173 = tpu.memref_squeeze %dma_wait3A_172 : memref<1x80xi32, #tpu.memory_space<hbm>> -> memref<80xi32, #tpu.memory_space<hbm>>
      %dma_wait3A_174 = arith.constant 0 : i32
      %dma_wait3A_175 = tpu.memref_slice %arg3[%mul3A_2, %dma_wait3A_174] : memref<1024x80xi32, #tpu.memory_space<hbm>> -> memref<1x80xi32, #tpu.memory_space<hbm>>
      %dma_wait3A_176 = tpu.memref_squeeze %dma_wait3A_175 : memref<1x80xi32, #tpu.memory_space<hbm>> -> memref<80xi32, #tpu.memory_space<hbm>>
      tpu.wait_dma2 semaphore(%run_scoped3A : memref<!tpu.dma_semaphore, #tpu.memory_space<semaphore_mem>>) src(%dma_wait3A_176 : memref<80xi32, #tpu.memory_space<hbm>>) dst(%arg7 : memref<80xi32, #tpu.memory_space<vmem>>)
      tpu.yield
    }) : () -> ()
    "tpu.region"() ({
      %run_scoped3A = tpu.sem_alloc : memref<!tpu.dma_semaphore, #tpu.memory_space<semaphore_mem>>
      %dma_start3A_165 = arith.constant 0 : i32
      %dma_start3A_166 = tpu.memref_slice %arg2[%mul3A_2, %dma_start3A_165] : memref<1024x80xf32, #tpu.memory_space<hbm>> -> memref<1x80xf32, #tpu.memory_space<hbm>>
      %dma_start3A_167 = tpu.memref_squeeze %dma_start3A_166 : memref<1x80xf32, #tpu.memory_space<hbm>> -> memref<80xf32, #tpu.memory_space<hbm>>
      %dma_start3A_168 = arith.constant 0 : i32
      %dma_start3A_169 = tpu.memref_slice %arg2[%mul3A_2, %dma_start3A_168] : memref<1024x80xf32, #tpu.memory_space<hbm>> -> memref<1x80xf32, #tpu.memory_space<hbm>>
      %dma_start3A_170 = tpu.memref_squeeze %dma_start3A_169 : memref<1x80xf32, #tpu.memory_space<hbm>> -> memref<80xf32, #tpu.memory_space<hbm>>
      tpu.enqueue_dma source(%dma_start3A_170 : memref<80xf32, #tpu.memory_space<hbm>>) target(%arg9 : memref<80xf32, #tpu.memory_space<vmem>>) target_semaphore(%run_scoped3A : memref<!tpu.dma_semaphore, #tpu.memory_space<semaphore_mem>>)
      %dma_wait3A_171 = arith.constant 0 : i32
      %dma_wait3A_172 = tpu.memref_slice %arg2[%mul3A_2, %dma_wait3A_171] : memref<1024x80xf32, #tpu.memory_space<hbm>> -> memref<1x80xf32, #tpu.memory_space<hbm>>
      %dma_wait3A_173 = tpu.memref_squeeze %dma_wait3A_172 : memref<1x80xf32, #tpu.memory_space<hbm>> -> memref<80xf32, #tpu.memory_space<hbm>>
      %dma_wait3A_174 = arith.constant 0 : i32
      %dma_wait3A_175 = tpu.memref_slice %arg2[%mul3A_2, %dma_wait3A_174] : memref<1024x80xf32, #tpu.memory_space<hbm>> -> memref<1x80xf32, #tpu.memory_space<hbm>>
      %dma_wait3A_176 = tpu.memref_squeeze %dma_wait3A_175 : memref<1x80xf32, #tpu.memory_space<hbm>> -> memref<80xf32, #tpu.memory_space<hbm>>
      tpu.wait_dma2 semaphore(%run_scoped3A : memref<!tpu.dma_semaphore, #tpu.memory_space<semaphore_mem>>) src(%dma_wait3A_176 : memref<80xf32, #tpu.memory_space<hbm>>) dst(%arg9 : memref<80xf32, #tpu.memory_space<vmem>>)
      tpu.yield
    }) : () -> ()
    %get3A = arith.constant 0 : index
    %get3A_8 = tpu.vector_load %arg7[%get3A] {strides = array<i32>} : memref<80xi32, #tpu.memory_space<vmem>>, vector<16xi32>,
    %eq3A = arith.constant 49408 : i32
    %eq3A_9 = vector.broadcast %eq3A : i32 to vector<16xi32>
    %eq3A_10 = arith.cmpi eq, %get3A_8, %eq3A_9 : vector<16xi32>
    %add3A_11 = arith.constant 49408 : i32
    %add3A_12 = vector.broadcast %add3A_11 : i32 to vector<16xi32>
    %add3A_13 = arith.addi %add3A_12, %iota3A : vector<16xi32>
    %select_n3A = arith.select %eq3A_10, %add3A_13, %get3A_8 : vector<16xi1>, vector<16xi32>
    %get3A_14 = arith.constant 0 : index
    %get3A_15 = tpu.vector_load %arg9[%get3A_14] {strides = array<i32>} : memref<80xf32, #tpu.memory_space<vmem>>, vector<16xf32>,
    tpu.vector_store_idx %arg5[%select_n3A], %get3A_15 : memref<49424xf32, #tpu.memory_space<vmem>>[vector<16xi32>], vector<16xf32>,
    %get3A_16 = arith.constant 16 : index
    %get3A_17 = tpu.vector_load %arg7[%get3A_16] {strides = array<i32>} : memref<80xi32, #tpu.memory_space<vmem>>, vector<16xi32>,
    %eq3A_18 = arith.constant 49408 : i32
    %eq3A_19 = vector.broadcast %eq3A_18 : i32 to vector<16xi32>
    %eq3A_20 = arith.cmpi eq, %get3A_17, %eq3A_19 : vector<16xi32>
    %add3A_21 = arith.constant 49408 : i32
    %add3A_22 = vector.broadcast %add3A_21 : i32 to vector<16xi32>
    %add3A_23 = arith.addi %add3A_22, %iota3A : vector<16xi32>
    %select_n3A_24 = arith.select %eq3A_20, %add3A_23, %get3A_17 : vector<16xi1>, vector<16xi32>
    %get3A_25 = arith.constant 16 : index
    %get3A_26 = tpu.vector_load %arg9[%get3A_25] {strides = array<i32>} : memref<80xf32, #tpu.memory_space<vmem>>, vector<16xf32>,
    tpu.vector_store_idx %arg5[%select_n3A_24], %get3A_26 : memref<49424xf32, #tpu.memory_space<vmem>>[vector<16xi32>], vector<16xf32>,
    %get3A_27 = arith.constant 32 : index
    %get3A_28 = tpu.vector_load %arg7[%get3A_27] {strides = array<i32>} : memref<80xi32, #tpu.memory_space<vmem>>, vector<16xi32>,
    %eq3A_29 = arith.constant 49408 : i32
    %eq3A_30 = vector.broadcast %eq3A_29 : i32 to vector<16xi32>
    %eq3A_31 = arith.cmpi eq, %get3A_28, %eq3A_30 : vector<16xi32>
    %add3A_32 = arith.constant 49408 : i32
    %add3A_33 = vector.broadcast %add3A_32 : i32 to vector<16xi32>
    %add3A_34 = arith.addi %add3A_33, %iota3A : vector<16xi32>
    %select_n3A_35 = arith.select %eq3A_31, %add3A_34, %get3A_28 : vector<16xi1>, vector<16xi32>
    %get3A_36 = arith.constant 32 : index
    %get3A_37 = tpu.vector_load %arg9[%get3A_36] {strides = array<i32>} : memref<80xf32, #tpu.memory_space<vmem>>, vector<16xf32>,
    tpu.vector_store_idx %arg5[%select_n3A_35], %get3A_37 : memref<49424xf32, #tpu.memory_space<vmem>>[vector<16xi32>], vector<16xf32>,
    %get3A_38 = arith.constant 48 : index
    %get3A_39 = tpu.vector_load %arg7[%get3A_38] {strides = array<i32>} : memref<80xi32, #tpu.memory_space<vmem>>, vector<16xi32>,
    %eq3A_40 = arith.constant 49408 : i32
    %eq3A_41 = vector.broadcast %eq3A_40 : i32 to vector<16xi32>
    %eq3A_42 = arith.cmpi eq, %get3A_39, %eq3A_41 : vector<16xi32>
    %add3A_43 = arith.constant 49408 : i32
    %add3A_44 = vector.broadcast %add3A_43 : i32 to vector<16xi32>
    %add3A_45 = arith.addi %add3A_44, %iota3A : vector<16xi32>
    %select_n3A_46 = arith.select %eq3A_42, %add3A_45, %get3A_39 : vector<16xi1>, vector<16xi32>
    %get3A_47 = arith.constant 48 : index
    %get3A_48 = tpu.vector_load %arg9[%get3A_47] {strides = array<i32>} : memref<80xf32, #tpu.memory_space<vmem>>, vector<16xf32>,
    tpu.vector_store_idx %arg5[%select_n3A_46], %get3A_48 : memref<49424xf32, #tpu.memory_space<vmem>>[vector<16xi32>], vector<16xf32>,
    %get3A_49 = arith.constant 64 : index
    %get3A_50 = tpu.vector_load %arg7[%get3A_49] {strides = array<i32>} : memref<80xi32, #tpu.memory_space<vmem>>, vector<16xi32>,
    %eq3A_51 = arith.constant 49408 : i32
    %eq3A_52 = vector.broadcast %eq3A_51 : i32 to vector<16xi32>
    %eq3A_53 = arith.cmpi eq, %get3A_50, %eq3A_52 : vector<16xi32>
    %add3A_54 = arith.constant 49408 : i32
    %add3A_55 = vector.broadcast %add3A_54 : i32 to vector<16xi32>
    %add3A_56 = arith.addi %add3A_55, %iota3A : vector<16xi32>
    %select_n3A_57 = arith.select %eq3A_53, %add3A_56, %get3A_50 : vector<16xi1>, vector<16xi32>
    %get3A_58 = arith.constant 64 : index
    %get3A_59 = tpu.vector_load %arg9[%get3A_58] {strides = array<i32>} : memref<80xf32, #tpu.memory_space<vmem>>, vector<16xf32>,
    tpu.vector_store_idx %arg5[%select_n3A_57], %get3A_59 : memref<49424xf32, #tpu.memory_space<vmem>>[vector<16xi32>], vector<16xf32>,
    %dma_start3A = arith.constant 0 : i32
    %dma_start3A_60 = tpu.memref_slice %arg5[%dma_start3A] : memref<49424xf32, #tpu.memory_space<vmem>> -> memref<49408xf32, #tpu.memory_space<vmem>>
    %dma_start3A_61 = arith.constant 0 : i32
    %dma_start3A_62 = tpu.memref_slice %arg4[%mul3A_2, %dma_start3A_61] : memref<1024x49408xf32, #tpu.memory_space<hbm>> -> memref<1x49408xf32, #tpu.memory_space<hbm>>
    %dma_start3A_63 = tpu.memref_squeeze %dma_start3A_62 : memref<1x49408xf32, #tpu.memory_space<hbm>> -> memref<49408xf32, #tpu.memory_space<hbm>>
    %dma_start3A_64 = arith.constant 0 : i32
    %dma_start3A_65 = tpu.memref_slice %arg4[%mul3A_2, %dma_start3A_64] : memref<1024x49408xf32, #tpu.memory_space<hbm>> -> memref<1x49408xf32, #tpu.memory_space<hbm>>
    %dma_start3A_66 = tpu.memref_squeeze %dma_start3A_65 : memref<1x49408xf32, #tpu.memory_space<hbm>> -> memref<49408xf32, #tpu.memory_space<hbm>>
    %dma_start3A_67 = arith.constant 0 : i32
    %dma_start3A_68 = tpu.memref_slice %arg5[%dma_start3A_67] : memref<49424xf32, #tpu.memory_space<vmem>> -> memref<49408xf32, #tpu.memory_space<vmem>>
    tpu.enqueue_dma source(%dma_start3A_68 : memref<49408xf32, #tpu.memory_space<vmem>>) target(%dma_start3A_66 : memref<49408xf32, #tpu.memory_space<hbm>>) target_semaphore(%arg11 : memref<!tpu.dma_semaphore, #tpu.memory_space<semaphore_mem>>)
    %add3A_69 = arith.constant 1 : i32
    %add3A_70 = arith.addi %mul3A_2, %add3A_69 : i32
    "tpu.region"() ({
      %run_scoped3A = tpu.sem_alloc : memref<!tpu.dma_semaphore, #tpu.memory_space<semaphore_mem>>
      %dma_start3A_165 = arith.constant 0 : i32
      %dma_start3A_166 = tpu.memref_slice %arg3[%add3A_70, %dma_start3A_165] : memref<1024x80xi32, #tpu.memory_space<hbm>> -> memref<1x80xi32, #tpu.memory_space<hbm>>
      %dma_start3A_167 = tpu.memref_squeeze %dma_start3A_166 : memref<1x80xi32, #tpu.memory_space<hbm>> -> memref<80xi32, #tpu.memory_space<hbm>>
      %dma_start3A_168 = arith.constant 0 : i32
      %dma_start3A_169 = tpu.memref_slice %arg3[%add3A_70, %dma_start3A_168] : memref<1024x80xi32, #tpu.memory_space<hbm>> -> memref<1x80xi32, #tpu.memory_space<hbm>>
      %dma_start3A_170 = tpu.memref_squeeze %dma_start3A_169 : memref<1x80xi32, #tpu.memory_space<hbm>> -> memref<80xi32, #tpu.memory_space<hbm>>
      tpu.enqueue_dma source(%dma_start3A_170 : memref<80xi32, #tpu.memory_space<hbm>>) target(%arg8 : memref<80xi32, #tpu.memory_space<vmem>>) target_semaphore(%run_scoped3A : memref<!tpu.dma_semaphore, #tpu.memory_space<semaphore_mem>>)
      %dma_wait3A_171 = arith.constant 0 : i32
      %dma_wait3A_172 = tpu.memref_slice %arg3[%add3A_70, %dma_wait3A_171] : memref<1024x80xi32, #tpu.memory_space<hbm>> -> memref<1x80xi32, #tpu.memory_space<hbm>>
      %dma_wait3A_173 = tpu.memref_squeeze %dma_wait3A_172 : memref<1x80xi32, #tpu.memory_space<hbm>> -> memref<80xi32, #tpu.memory_space<hbm>>
      %dma_wait3A_174 = arith.constant 0 : i32
      %dma_wait3A_175 = tpu.memref_slice %arg3[%add3A_70, %dma_wait3A_174] : memref<1024x80xi32, #tpu.memory_space<hbm>> -> memref<1x80xi32, #tpu.memory_space<hbm>>
      %dma_wait3A_176 = tpu.memref_squeeze %dma_wait3A_175 : memref<1x80xi32, #tpu.memory_space<hbm>> -> memref<80xi32, #tpu.memory_space<hbm>>
      tpu.wait_dma2 semaphore(%run_scoped3A : memref<!tpu.dma_semaphore, #tpu.memory_space<semaphore_mem>>) src(%dma_wait3A_176 : memref<80xi32, #tpu.memory_space<hbm>>) dst(%arg8 : memref<80xi32, #tpu.memory_space<vmem>>)
      tpu.yield
    }) : () -> ()
    "tpu.region"() ({
      %run_scoped3A = tpu.sem_alloc : memref<!tpu.dma_semaphore, #tpu.memory_space<semaphore_mem>>
      %dma_start3A_165 = arith.constant 0 : i32
      %dma_start3A_166 = tpu.memref_slice %arg2[%add3A_70, %dma_start3A_165] : memref<1024x80xf32, #tpu.memory_space<hbm>> -> memref<1x80xf32, #tpu.memory_space<hbm>>
      %dma_start3A_167 = tpu.memref_squeeze %dma_start3A_166 : memref<1x80xf32, #tpu.memory_space<hbm>> -> memref<80xf32, #tpu.memory_space<hbm>>
      %dma_start3A_168 = arith.constant 0 : i32
      %dma_start3A_169 = tpu.memref_slice %arg2[%add3A_70, %dma_start3A_168] : memref<1024x80xf32, #tpu.memory_space<hbm>> -> memref<1x80xf32, #tpu.memory_space<hbm>>
      %dma_start3A_170 = tpu.memref_squeeze %dma_start3A_169 : memref<1x80xf32, #tpu.memory_space<hbm>> -> memref<80xf32, #tpu.memory_space<hbm>>
      tpu.enqueue_dma source(%dma_start3A_170 : memref<80xf32, #tpu.memory_space<hbm>>) target(%arg10 : memref<80xf32, #tpu.memory_space<vmem>>) target_semaphore(%run_scoped3A : memref<!tpu.dma_semaphore, #tpu.memory_space<semaphore_mem>>)
      %dma_wait3A_171 = arith.constant 0 : i32
      %dma_wait3A_172 = tpu.memref_slice %arg2[%add3A_70, %dma_wait3A_171] : memref<1024x80xf32, #tpu.memory_space<hbm>> -> memref<1x80xf32, #tpu.memory_space<hbm>>
      %dma_wait3A_173 = tpu.memref_squeeze %dma_wait3A_172 : memref<1x80xf32, #tpu.memory_space<hbm>> -> memref<80xf32, #tpu.memory_space<hbm>>
      %dma_wait3A_174 = arith.constant 0 : i32
      %dma_wait3A_175 = tpu.memref_slice %arg2[%add3A_70, %dma_wait3A_174] : memref<1024x80xf32, #tpu.memory_space<hbm>> -> memref<1x80xf32, #tpu.memory_space<hbm>>
      %dma_wait3A_176 = tpu.memref_squeeze %dma_wait3A_175 : memref<1x80xf32, #tpu.memory_space<hbm>> -> memref<80xf32, #tpu.memory_space<hbm>>
      tpu.wait_dma2 semaphore(%run_scoped3A : memref<!tpu.dma_semaphore, #tpu.memory_space<semaphore_mem>>) src(%dma_wait3A_176 : memref<80xf32, #tpu.memory_space<hbm>>) dst(%arg10 : memref<80xf32, #tpu.memory_space<vmem>>)
      tpu.yield
    }) : () -> ()
    %get3A_71 = arith.constant 0 : index
    %get3A_72 = tpu.vector_load %arg8[%get3A_71] {strides = array<i32>} : memref<80xi32, #tpu.memory_space<vmem>>, vector<16xi32>,
    %eq3A_73 = arith.constant 49408 : i32
    %eq3A_74 = vector.broadcast %eq3A_73 : i32 to vector<16xi32>
    %eq3A_75 = arith.cmpi eq, %get3A_72, %eq3A_74 : vector<16xi32>
    %add3A_76 = arith.constant 49408 : i32
    %add3A_77 = vector.broadcast %add3A_76 : i32 to vector<16xi32>
    %add3A_78 = arith.addi %add3A_77, %iota3A : vector<16xi32>
    %select_n3A_79 = arith.select %eq3A_75, %add3A_78, %get3A_72 : vector<16xi1>, vector<16xi32>
    %get3A_80 = arith.constant 0 : index
    %get3A_81 = tpu.vector_load %arg10[%get3A_80] {strides = array<i32>} : memref<80xf32, #tpu.memory_space<vmem>>, vector<16xf32>,
    tpu.vector_store_idx %arg6[%select_n3A_79], %get3A_81 : memref<49424xf32, #tpu.memory_space<vmem>>[vector<16xi32>], vector<16xf32>,
    %get3A_82 = arith.constant 16 : index
    %get3A_83 = tpu.vector_load %arg8[%get3A_82] {strides = array<i32>} : memref<80xi32, #tpu.memory_space<vmem>>, vector<16xi32>,
    %eq3A_84 = arith.constant 49408 : i32
    %eq3A_85 = vector.broadcast %eq3A_84 : i32 to vector<16xi32>
    %eq3A_86 = arith.cmpi eq, %get3A_83, %eq3A_85 : vector<16xi32>
    %add3A_87 = arith.constant 49408 : i32
    %add3A_88 = vector.broadcast %add3A_87 : i32 to vector<16xi32>
    %add3A_89 = arith.addi %add3A_88, %iota3A : vector<16xi32>
    %select_n3A_90 = arith.select %eq3A_86, %add3A_89, %get3A_83 : vector<16xi1>, vector<16xi32>
    %get3A_91 = arith.constant 16 : index
    %get3A_92 = tpu.vector_load %arg10[%get3A_91] {strides = array<i32>} : memref<80xf32, #tpu.memory_space<vmem>>, vector<16xf32>,
    tpu.vector_store_idx %arg6[%select_n3A_90], %get3A_92 : memref<49424xf32, #tpu.memory_space<vmem>>[vector<16xi32>], vector<16xf32>,
    %get3A_93 = arith.constant 32 : index
    %get3A_94 = tpu.vector_load %arg8[%get3A_93] {strides = array<i32>} : memref<80xi32, #tpu.memory_space<vmem>>, vector<16xi32>,
    %eq3A_95 = arith.constant 49408 : i32
    %eq3A_96 = vector.broadcast %eq3A_95 : i32 to vector<16xi32>
    %eq3A_97 = arith.cmpi eq, %get3A_94, %eq3A_96 : vector<16xi32>
    %add3A_98 = arith.constant 49408 : i32
    %add3A_99 = vector.broadcast %add3A_98 : i32 to vector<16xi32>
    %add3A_100 = arith.addi %add3A_99, %iota3A : vector<16xi32>
    %select_n3A_101 = arith.select %eq3A_97, %add3A_100, %get3A_94 : vector<16xi1>, vector<16xi32>
    %get3A_102 = arith.constant 32 : index
    %get3A_103 = tpu.vector_load %arg10[%get3A_102] {strides = array<i32>} : memref<80xf32, #tpu.memory_space<vmem>>, vector<16xf32>,
    tpu.vector_store_idx %arg6[%select_n3A_101], %get3A_103 : memref<49424xf32, #tpu.memory_space<vmem>>[vector<16xi32>], vector<16xf32>,
    %get3A_104 = arith.constant 48 : index
    %get3A_105 = tpu.vector_load %arg8[%get3A_104] {strides = array<i32>} : memref<80xi32, #tpu.memory_space<vmem>>, vector<16xi32>,
    %eq3A_106 = arith.constant 49408 : i32
    %eq3A_107 = vector.broadcast %eq3A_106 : i32 to vector<16xi32>
    %eq3A_108 = arith.cmpi eq, %get3A_105, %eq3A_107 : vector<16xi32>
    %add3A_109 = arith.constant 49408 : i32
    %add3A_110 = vector.broadcast %add3A_109 : i32 to vector<16xi32>
    %add3A_111 = arith.addi %add3A_110, %iota3A : vector<16xi32>
    %select_n3A_112 = arith.select %eq3A_108, %add3A_111, %get3A_105 : vector<16xi1>, vector<16xi32>
    %get3A_113 = arith.constant 48 : index
    %get3A_114 = tpu.vector_load %arg10[%get3A_113] {strides = array<i32>} : memref<80xf32, #tpu.memory_space<vmem>>, vector<16xf32>,
    tpu.vector_store_idx %arg6[%select_n3A_112], %get3A_114 : memref<49424xf32, #tpu.memory_space<vmem>>[vector<16xi32>], vector<16xf32>,
    %get3A_115 = arith.constant 64 : index
    %get3A_116 = tpu.vector_load %arg8[%get3A_115] {strides = array<i32>} : memref<80xi32, #tpu.memory_space<vmem>>, vector<16xi32>,
    %eq3A_117 = arith.constant 49408 : i32
    %eq3A_118 = vector.broadcast %eq3A_117 : i32 to vector<16xi32>
    %eq3A_119 = arith.cmpi eq, %get3A_116, %eq3A_118 : vector<16xi32>
    %add3A_120 = arith.constant 49408 : i32
    %add3A_121 = vector.broadcast %add3A_120 : i32 to vector<16xi32>
    %add3A_122 = arith.addi %add3A_121, %iota3A : vector<16xi32>
    %select_n3A_123 = arith.select %eq3A_119, %add3A_122, %get3A_116 : vector<16xi1>, vector<16xi32>
    %get3A_124 = arith.constant 64 : index
    %get3A_125 = tpu.vector_load %arg10[%get3A_124] {strides = array<i32>} : memref<80xf32, #tpu.memory_space<vmem>>, vector<16xf32>,
    tpu.vector_store_idx %arg6[%select_n3A_123], %get3A_125 : memref<49424xf32, #tpu.memory_space<vmem>>[vector<16xi32>], vector<16xf32>,
    %dma_start3A_126 = arith.constant 0 : i32
    %dma_start3A_127 = tpu.memref_slice %arg6[%dma_start3A_126] : memref<49424xf32, #tpu.memory_space<vmem>> -> memref<49408xf32, #tpu.memory_space<vmem>>
    %dma_start3A_128 = arith.constant 0 : i32
    %dma_start3A_129 = tpu.memref_slice %arg4[%add3A_70, %dma_start3A_128] : memref<1024x49408xf32, #tpu.memory_space<hbm>> -> memref<1x49408xf32, #tpu.memory_space<hbm>>
    %dma_start3A_130 = tpu.memref_squeeze %dma_start3A_129 : memref<1x49408xf32, #tpu.memory_space<hbm>> -> memref<49408xf32, #tpu.memory_space<hbm>>
    %dma_start3A_131 = arith.constant 0 : i32
    %dma_start3A_132 = tpu.memref_slice %arg4[%add3A_70, %dma_start3A_131] : memref<1024x49408xf32, #tpu.memory_space<hbm>> -> memref<1x49408xf32, #tpu.memory_space<hbm>>
    %dma_start3A_133 = tpu.memref_squeeze %dma_start3A_132 : memref<1x49408xf32, #tpu.memory_space<hbm>> -> memref<49408xf32, #tpu.memory_space<hbm>>
    %dma_start3A_134 = arith.constant 0 : i32
    %dma_start3A_135 = tpu.memref_slice %arg6[%dma_start3A_134] : memref<49424xf32, #tpu.memory_space<vmem>> -> memref<49408xf32, #tpu.memory_space<vmem>>
    tpu.enqueue_dma source(%dma_start3A_135 : memref<49408xf32, #tpu.memory_space<vmem>>) target(%dma_start3A_133 : memref<49408xf32, #tpu.memory_space<hbm>>) target_semaphore(%arg12 : memref<!tpu.dma_semaphore, #tpu.memory_space<semaphore_mem>>)
    %scan3A_136 = arith.constant 1 : i32
    %scan3A_137 = arith.constant 15 : i32
    %scan3A_138 = arith.addi %scan3A_136, %scan3A_137 : i32
    %scan3A_139 = arith.constant 1 : i32
    scf.for %scan3A_165 = %scan3A_136 to %scan3A_138 step %scan3A_139  : i32 {
      %mul3A_166 = arith.constant 2 : i32
      %mul3A_167 = arith.muli %mul3A_166, %scan3A_165 : i32
      %add3A_168 = arith.addi %mul3A_2, %mul3A_167 : i32
      %sub3A_169 = arith.constant 2 : i32
      %sub3A_170 = arith.subi %add3A_168, %sub3A_169 : i32
      %dma_wait3A_171 = arith.constant 0 : i32
      %dma_wait3A_172 = tpu.memref_slice %arg5[%dma_wait3A_171] : memref<49424xf32, #tpu.memory_space<vmem>> -> memref<49408xf32, #tpu.memory_space<vmem>>
      %dma_wait3A_173 = arith.constant 0 : i32
      %dma_wait3A_174 = tpu.memref_slice %arg4[%sub3A_170, %dma_wait3A_173] : memref<1024x49408xf32, #tpu.memory_space<hbm>> -> memref<1x49408xf32, #tpu.memory_space<hbm>>
      %dma_wait3A_175 = tpu.memref_squeeze %dma_wait3A_174 : memref<1x49408xf32, #tpu.memory_space<hbm>> -> memref<49408xf32, #tpu.memory_space<hbm>>
      %dma_wait3A_176 = arith.constant 0 : i32
      %dma_wait3A_177 = tpu.memref_slice %arg4[%sub3A_170, %dma_wait3A_176] : memref<1024x49408xf32, #tpu.memory_space<hbm>> -> memref<1x49408xf32, #tpu.memory_space<hbm>>
      %dma_wait3A_178 = tpu.memref_squeeze %dma_wait3A_177 : memref<1x49408xf32, #tpu.memory_space<hbm>> -> memref<49408xf32, #tpu.memory_space<hbm>>
      %dma_wait3A_179 = arith.constant 0 : i32
      %dma_wait3A_180 = tpu.memref_slice %arg5[%dma_wait3A_179] : memref<49424xf32, #tpu.memory_space<vmem>> -> memref<49408xf32, #tpu.memory_space<vmem>>
      tpu.wait_dma2 semaphore(%arg11 : memref<!tpu.dma_semaphore, #tpu.memory_space<semaphore_mem>>) src(%dma_wait3A_180 : memref<49408xf32, #tpu.memory_space<vmem>>) dst(%dma_wait3A_178 : memref<49408xf32, #tpu.memory_space<hbm>>)
      %get3A_181 = arith.constant 0 : index
      %get3A_182 = tpu.vector_load %arg7[%get3A_181] {strides = array<i32>} : memref<80xi32, #tpu.memory_space<vmem>>, vector<16xi32>,
      %eq3A_183 = arith.constant 49408 : i32
      %eq3A_184 = vector.broadcast %eq3A_183 : i32 to vector<16xi32>
      %eq3A_185 = arith.cmpi eq, %get3A_182, %eq3A_184 : vector<16xi32>
      %add3A_186 = arith.constant 49408 : i32
      %add3A_187 = vector.broadcast %add3A_186 : i32 to vector<16xi32>
      %add3A_188 = arith.addi %add3A_187, %iota3A : vector<16xi32>
      %select_n3A_189 = arith.select %eq3A_185, %add3A_188, %get3A_182 : vector<16xi1>, vector<16xi32>
      tpu.vector_store_idx %arg5[%select_n3A_189], %broadcast_in_dim3A_3 : memref<49424xf32, #tpu.memory_space<vmem>>[vector<16xi32>], vector<16xf32>,
      %get3A_190 = arith.constant 16 : index
      %get3A_191 = tpu.vector_load %arg7[%get3A_190] {strides = array<i32>} : memref<80xi32, #tpu.memory_space<vmem>>, vector<16xi32>,
      %eq3A_192 = arith.constant 49408 : i32
      %eq3A_193 = vector.broadcast %eq3A_192 : i32 to vector<16xi32>
      %eq3A_194 = arith.cmpi eq, %get3A_191, %eq3A_193 : vector<16xi32>
      %add3A_195 = arith.constant 49408 : i32
      %add3A_196 = vector.broadcast %add3A_195 : i32 to vector<16xi32>
      %add3A_197 = arith.addi %add3A_196, %iota3A : vector<16xi32>
      %select_n3A_198 = arith.select %eq3A_194, %add3A_197, %get3A_191 : vector<16xi1>, vector<16xi32>
      tpu.vector_store_idx %arg5[%select_n3A_198], %broadcast_in_dim3A_3 : memref<49424xf32, #tpu.memory_space<vmem>>[vector<16xi32>], vector<16xf32>,
      %get3A_199 = arith.constant 32 : index
      %get3A_200 = tpu.vector_load %arg7[%get3A_199] {strides = array<i32>} : memref<80xi32, #tpu.memory_space<vmem>>, vector<16xi32>,
      %eq3A_201 = arith.constant 49408 : i32
      %eq3A_202 = vector.broadcast %eq3A_201 : i32 to vector<16xi32>
      %eq3A_203 = arith.cmpi eq, %get3A_200, %eq3A_202 : vector<16xi32>
      %add3A_204 = arith.constant 49408 : i32
      %add3A_205 = vector.broadcast %add3A_204 : i32 to vector<16xi32>
      %add3A_206 = arith.addi %add3A_205, %iota3A : vector<16xi32>
      %select_n3A_207 = arith.select %eq3A_203, %add3A_206, %get3A_200 : vector<16xi1>, vector<16xi32>
      tpu.vector_store_idx %arg5[%select_n3A_207], %broadcast_in_dim3A_3 : memref<49424xf32, #tpu.memory_space<vmem>>[vector<16xi32>], vector<16xf32>,
      %get3A_208 = arith.constant 48 : index
      %get3A_209 = tpu.vector_load %arg7[%get3A_208] {strides = array<i32>} : memref<80xi32, #tpu.memory_space<vmem>>, vector<16xi32>,
      %eq3A_210 = arith.constant 49408 : i32
      %eq3A_211 = vector.broadcast %eq3A_210 : i32 to vector<16xi32>
      %eq3A_212 = arith.cmpi eq, %get3A_209, %eq3A_211 : vector<16xi32>
      %add3A_213 = arith.constant 49408 : i32
      %add3A_214 = vector.broadcast %add3A_213 : i32 to vector<16xi32>
      %add3A_215 = arith.addi %add3A_214, %iota3A : vector<16xi32>
      %select_n3A_216 = arith.select %eq3A_212, %add3A_215, %get3A_209 : vector<16xi1>, vector<16xi32>
      tpu.vector_store_idx %arg5[%select_n3A_216], %broadcast_in_dim3A_3 : memref<49424xf32, #tpu.memory_space<vmem>>[vector<16xi32>], vector<16xf32>,
      %get3A_217 = arith.constant 64 : index
      %get3A_218 = tpu.vector_load %arg7[%get3A_217] {strides = array<i32>} : memref<80xi32, #tpu.memory_space<vmem>>, vector<16xi32>,
      %eq3A_219 = arith.constant 49408 : i32
      %eq3A_220 = vector.broadcast %eq3A_219 : i32 to vector<16xi32>
      %eq3A_221 = arith.cmpi eq, %get3A_218, %eq3A_220 : vector<16xi32>
      %add3A_222 = arith.constant 49408 : i32
      %add3A_223 = vector.broadcast %add3A_222 : i32 to vector<16xi32>
      %add3A_224 = arith.addi %add3A_223, %iota3A : vector<16xi32>
      %select_n3A_225 = arith.select %eq3A_221, %add3A_224, %get3A_218 : vector<16xi1>, vector<16xi32>
      tpu.vector_store_idx %arg5[%select_n3A_225], %broadcast_in_dim3A_3 : memref<49424xf32, #tpu.memory_space<vmem>>[vector<16xi32>], vector<16xf32>,
      "tpu.region"() ({
        %run_scoped3A = tpu.sem_alloc : memref<!tpu.dma_semaphore, #tpu.memory_space<semaphore_mem>>
        %dma_start3A_415 = arith.constant 0 : i32
        %dma_start3A_416 = tpu.memref_slice %arg3[%add3A_168, %dma_start3A_415] : memref<1024x80xi32, #tpu.memory_space<hbm>> -> memref<1x80xi32, #tpu.memory_space<hbm>>
        %dma_start3A_417 = tpu.memref_squeeze %dma_start3A_416 : memref<1x80xi32, #tpu.memory_space<hbm>> -> memref<80xi32, #tpu.memory_space<hbm>>
        %dma_start3A_418 = arith.constant 0 : i32
        %dma_start3A_419 = tpu.memref_slice %arg3[%add3A_168, %dma_start3A_418] : memref<1024x80xi32, #tpu.memory_space<hbm>> -> memref<1x80xi32, #tpu.memory_space<hbm>>
        %dma_start3A_420 = tpu.memref_squeeze %dma_start3A_419 : memref<1x80xi32, #tpu.memory_space<hbm>> -> memref<80xi32, #tpu.memory_space<hbm>>
        tpu.enqueue_dma source(%dma_start3A_420 : memref<80xi32, #tpu.memory_space<hbm>>) target(%arg7 : memref<80xi32, #tpu.memory_space<vmem>>) target_semaphore(%run_scoped3A : memref<!tpu.dma_semaphore, #tpu.memory_space<semaphore_mem>>)
        %dma_wait3A_421 = arith.constant 0 : i32
        %dma_wait3A_422 = tpu.memref_slice %arg3[%add3A_168, %dma_wait3A_421] : memref<1024x80xi32, #tpu.memory_space<hbm>> -> memref<1x80xi32, #tpu.memory_space<hbm>>
        %dma_wait3A_423 = tpu.memref_squeeze %dma_wait3A_422 : memref<1x80xi32, #tpu.memory_space<hbm>> -> memref<80xi32, #tpu.memory_space<hbm>>
        %dma_wait3A_424 = arith.constant 0 : i32
        %dma_wait3A_425 = tpu.memref_slice %arg3[%add3A_168, %dma_wait3A_424] : memref<1024x80xi32, #tpu.memory_space<hbm>> -> memref<1x80xi32, #tpu.memory_space<hbm>>
        %dma_wait3A_426 = tpu.memref_squeeze %dma_wait3A_425 : memref<1x80xi32, #tpu.memory_space<hbm>> -> memref<80xi32, #tpu.memory_space<hbm>>
        tpu.wait_dma2 semaphore(%run_scoped3A : memref<!tpu.dma_semaphore, #tpu.memory_space<semaphore_mem>>) src(%dma_wait3A_426 : memref<80xi32, #tpu.memory_space<hbm>>) dst(%arg7 : memref<80xi32, #tpu.memory_space<vmem>>)
        tpu.yield
      }) : () -> ()
      "tpu.region"() ({
        %run_scoped3A = tpu.sem_alloc : memref<!tpu.dma_semaphore, #tpu.memory_space<semaphore_mem>>
        %dma_start3A_415 = arith.constant 0 : i32
        %dma_start3A_416 = tpu.memref_slice %arg2[%add3A_168, %dma_start3A_415] : memref<1024x80xf32, #tpu.memory_space<hbm>> -> memref<1x80xf32, #tpu.memory_space<hbm>>
        %dma_start3A_417 = tpu.memref_squeeze %dma_start3A_416 : memref<1x80xf32, #tpu.memory_space<hbm>> -> memref<80xf32, #tpu.memory_space<hbm>>
        %dma_start3A_418 = arith.constant 0 : i32
        %dma_start3A_419 = tpu.memref_slice %arg2[%add3A_168, %dma_start3A_418] : memref<1024x80xf32, #tpu.memory_space<hbm>> -> memref<1x80xf32, #tpu.memory_space<hbm>>
        %dma_start3A_420 = tpu.memref_squeeze %dma_start3A_419 : memref<1x80xf32, #tpu.memory_space<hbm>> -> memref<80xf32, #tpu.memory_space<hbm>>
        tpu.enqueue_dma source(%dma_start3A_420 : memref<80xf32, #tpu.memory_space<hbm>>) target(%arg9 : memref<80xf32, #tpu.memory_space<vmem>>) target_semaphore(%run_scoped3A : memref<!tpu.dma_semaphore, #tpu.memory_space<semaphore_mem>>)
        %dma_wait3A_421 = arith.constant 0 : i32
        %dma_wait3A_422 = tpu.memref_slice %arg2[%add3A_168, %dma_wait3A_421] : memref<1024x80xf32, #tpu.memory_space<hbm>> -> memref<1x80xf32, #tpu.memory_space<hbm>>
        %dma_wait3A_423 = tpu.memref_squeeze %dma_wait3A_422 : memref<1x80xf32, #tpu.memory_space<hbm>> -> memref<80xf32, #tpu.memory_space<hbm>>
        %dma_wait3A_424 = arith.constant 0 : i32
        %dma_wait3A_425 = tpu.memref_slice %arg2[%add3A_168, %dma_wait3A_424] : memref<1024x80xf32, #tpu.memory_space<hbm>> -> memref<1x80xf32, #tpu.memory_space<hbm>>
        %dma_wait3A_426 = tpu.memref_squeeze %dma_wait3A_425 : memref<1x80xf32, #tpu.memory_space<hbm>> -> memref<80xf32, #tpu.memory_space<hbm>>
        tpu.wait_dma2 semaphore(%run_scoped3A : memref<!tpu.dma_semaphore, #tpu.memory_space<semaphore_mem>>) src(%dma_wait3A_426 : memref<80xf32, #tpu.memory_space<hbm>>) dst(%arg9 : memref<80xf32, #tpu.memory_space<vmem>>)
        tpu.yield
      }) : () -> ()
      %get3A_226 = arith.constant 0 : index
      %get3A_227 = tpu.vector_load %arg7[%get3A_226] {strides = array<i32>} : memref<80xi32, #tpu.memory_space<vmem>>, vector<16xi32>,
      %eq3A_228 = arith.constant 49408 : i32
      %eq3A_229 = vector.broadcast %eq3A_228 : i32 to vector<16xi32>
      %eq3A_230 = arith.cmpi eq, %get3A_227, %eq3A_229 : vector<16xi32>
      %add3A_231 = arith.constant 49408 : i32
      %add3A_232 = vector.broadcast %add3A_231 : i32 to vector<16xi32>
      %add3A_233 = arith.addi %add3A_232, %iota3A : vector<16xi32>
      %select_n3A_234 = arith.select %eq3A_230, %add3A_233, %get3A_227 : vector<16xi1>, vector<16xi32>
      %get3A_235 = arith.constant 0 : index
      %get3A_236 = tpu.vector_load %arg9[%get3A_235] {strides = array<i32>} : memref<80xf32, #tpu.memory_space<vmem>>, vector<16xf32>,
      tpu.vector_store_idx %arg5[%select_n3A_234], %get3A_236 : memref<49424xf32, #tpu.memory_space<vmem>>[vector<16xi32>], vector<16xf32>,
      %get3A_237 = arith.constant 16 : index
      %get3A_238 = tpu.vector_load %arg7[%get3A_237] {strides = array<i32>} : memref<80xi32, #tpu.memory_space<vmem>>, vector<16xi32>,
      %eq3A_239 = arith.constant 49408 : i32
      %eq3A_240 = vector.broadcast %eq3A_239 : i32 to vector<16xi32>
      %eq3A_241 = arith.cmpi eq, %get3A_238, %eq3A_240 : vector<16xi32>
      %add3A_242 = arith.constant 49408 : i32
      %add3A_243 = vector.broadcast %add3A_242 : i32 to vector<16xi32>
      %add3A_244 = arith.addi %add3A_243, %iota3A : vector<16xi32>
      %select_n3A_245 = arith.select %eq3A_241, %add3A_244, %get3A_238 : vector<16xi1>, vector<16xi32>
      %get3A_246 = arith.constant 16 : index
      %get3A_247 = tpu.vector_load %arg9[%get3A_246] {strides = array<i32>} : memref<80xf32, #tpu.memory_space<vmem>>, vector<16xf32>,
      tpu.vector_store_idx %arg5[%select_n3A_245], %get3A_247 : memref<49424xf32, #tpu.memory_space<vmem>>[vector<16xi32>], vector<16xf32>,
      %get3A_248 = arith.constant 32 : index
      %get3A_249 = tpu.vector_load %arg7[%get3A_248] {strides = array<i32>} : memref<80xi32, #tpu.memory_space<vmem>>, vector<16xi32>,
      %eq3A_250 = arith.constant 49408 : i32
      %eq3A_251 = vector.broadcast %eq3A_250 : i32 to vector<16xi32>
      %eq3A_252 = arith.cmpi eq, %get3A_249, %eq3A_251 : vector<16xi32>
      %add3A_253 = arith.constant 49408 : i32
      %add3A_254 = vector.broadcast %add3A_253 : i32 to vector<16xi32>
      %add3A_255 = arith.addi %add3A_254, %iota3A : vector<16xi32>
      %select_n3A_256 = arith.select %eq3A_252, %add3A_255, %get3A_249 : vector<16xi1>, vector<16xi32>
      %get3A_257 = arith.constant 32 : index
      %get3A_258 = tpu.vector_load %arg9[%get3A_257] {strides = array<i32>} : memref<80xf32, #tpu.memory_space<vmem>>, vector<16xf32>,
      tpu.vector_store_idx %arg5[%select_n3A_256], %get3A_258 : memref<49424xf32, #tpu.memory_space<vmem>>[vector<16xi32>], vector<16xf32>,
      %get3A_259 = arith.constant 48 : index
      %get3A_260 = tpu.vector_load %arg7[%get3A_259] {strides = array<i32>} : memref<80xi32, #tpu.memory_space<vmem>>, vector<16xi32>,
      %eq3A_261 = arith.constant 49408 : i32
      %eq3A_262 = vector.broadcast %eq3A_261 : i32 to vector<16xi32>
      %eq3A_263 = arith.cmpi eq, %get3A_260, %eq3A_262 : vector<16xi32>
      %add3A_264 = arith.constant 49408 : i32
      %add3A_265 = vector.broadcast %add3A_264 : i32 to vector<16xi32>
      %add3A_266 = arith.addi %add3A_265, %iota3A : vector<16xi32>
      %select_n3A_267 = arith.select %eq3A_263, %add3A_266, %get3A_260 : vector<16xi1>, vector<16xi32>
      %get3A_268 = arith.constant 48 : index
      %get3A_269 = tpu.vector_load %arg9[%get3A_268] {strides = array<i32>} : memref<80xf32, #tpu.memory_space<vmem>>, vector<16xf32>,
      tpu.vector_store_idx %arg5[%select_n3A_267], %get3A_269 : memref<49424xf32, #tpu.memory_space<vmem>>[vector<16xi32>], vector<16xf32>,
      %get3A_270 = arith.constant 64 : index
      %get3A_271 = tpu.vector_load %arg7[%get3A_270] {strides = array<i32>} : memref<80xi32, #tpu.memory_space<vmem>>, vector<16xi32>,
      %eq3A_272 = arith.constant 49408 : i32
      %eq3A_273 = vector.broadcast %eq3A_272 : i32 to vector<16xi32>
      %eq3A_274 = arith.cmpi eq, %get3A_271, %eq3A_273 : vector<16xi32>
      %add3A_275 = arith.constant 49408 : i32
      %add3A_276 = vector.broadcast %add3A_275 : i32 to vector<16xi32>
      %add3A_277 = arith.addi %add3A_276, %iota3A : vector<16xi32>
      %select_n3A_278 = arith.select %eq3A_274, %add3A_277, %get3A_271 : vector<16xi1>, vector<16xi32>
      %get3A_279 = arith.constant 64 : index
      %get3A_280 = tpu.vector_load %arg9[%get3A_279] {strides = array<i32>} : memref<80xf32, #tpu.memory_space<vmem>>, vector<16xf32>,
      tpu.vector_store_idx %arg5[%select_n3A_278], %get3A_280 : memref<49424xf32, #tpu.memory_space<vmem>>[vector<16xi32>], vector<16xf32>,
      %dma_start3A_281 = arith.constant 0 : i32
      %dma_start3A_282 = tpu.memref_slice %arg5[%dma_start3A_281] : memref<49424xf32, #tpu.memory_space<vmem>> -> memref<49408xf32, #tpu.memory_space<vmem>>
      %dma_start3A_283 = arith.constant 0 : i32
      %dma_start3A_284 = tpu.memref_slice %arg4[%add3A_168, %dma_start3A_283] : memref<1024x49408xf32, #tpu.memory_space<hbm>> -> memref<1x49408xf32, #tpu.memory_space<hbm>>
      %dma_start3A_285 = tpu.memref_squeeze %dma_start3A_284 : memref<1x49408xf32, #tpu.memory_space<hbm>> -> memref<49408xf32, #tpu.memory_space<hbm>>
      %dma_start3A_286 = arith.constant 0 : i32
      %dma_start3A_287 = tpu.memref_slice %arg4[%add3A_168, %dma_start3A_286] : memref<1024x49408xf32, #tpu.memory_space<hbm>> -> memref<1x49408xf32, #tpu.memory_space<hbm>>
      %dma_start3A_288 = tpu.memref_squeeze %dma_start3A_287 : memref<1x49408xf32, #tpu.memory_space<hbm>> -> memref<49408xf32, #tpu.memory_space<hbm>>
      %dma_start3A_289 = arith.constant 0 : i32
      %dma_start3A_290 = tpu.memref_slice %arg5[%dma_start3A_289] : memref<49424xf32, #tpu.memory_space<vmem>> -> memref<49408xf32, #tpu.memory_space<vmem>>
      tpu.enqueue_dma source(%dma_start3A_290 : memref<49408xf32, #tpu.memory_space<vmem>>) target(%dma_start3A_288 : memref<49408xf32, #tpu.memory_space<hbm>>) target_semaphore(%arg11 : memref<!tpu.dma_semaphore, #tpu.memory_space<semaphore_mem>>)
      %sub3A_291 = arith.constant 1 : i32
      %sub3A_292 = arith.subi %add3A_168, %sub3A_291 : i32
      %dma_wait3A_293 = arith.constant 0 : i32
      %dma_wait3A_294 = tpu.memref_slice %arg6[%dma_wait3A_293] : memref<49424xf32, #tpu.memory_space<vmem>> -> memref<49408xf32, #tpu.memory_space<vmem>>
      %dma_wait3A_295 = arith.constant 0 : i32
      %dma_wait3A_296 = tpu.memref_slice %arg4[%sub3A_292, %dma_wait3A_295] : memref<1024x49408xf32, #tpu.memory_space<hbm>> -> memref<1x49408xf32, #tpu.memory_space<hbm>>
      %dma_wait3A_297 = tpu.memref_squeeze %dma_wait3A_296 : memref<1x49408xf32, #tpu.memory_space<hbm>> -> memref<49408xf32, #tpu.memory_space<hbm>>
      %dma_wait3A_298 = arith.constant 0 : i32
      %dma_wait3A_299 = tpu.memref_slice %arg4[%sub3A_292, %dma_wait3A_298] : memref<1024x49408xf32, #tpu.memory_space<hbm>> -> memref<1x49408xf32, #tpu.memory_space<hbm>>
      %dma_wait3A_300 = tpu.memref_squeeze %dma_wait3A_299 : memref<1x49408xf32, #tpu.memory_space<hbm>> -> memref<49408xf32, #tpu.memory_space<hbm>>
      %dma_wait3A_301 = arith.constant 0 : i32
      %dma_wait3A_302 = tpu.memref_slice %arg6[%dma_wait3A_301] : memref<49424xf32, #tpu.memory_space<vmem>> -> memref<49408xf32, #tpu.memory_space<vmem>>
      tpu.wait_dma2 semaphore(%arg12 : memref<!tpu.dma_semaphore, #tpu.memory_space<semaphore_mem>>) src(%dma_wait3A_302 : memref<49408xf32, #tpu.memory_space<vmem>>) dst(%dma_wait3A_300 : memref<49408xf32, #tpu.memory_space<hbm>>)
      %get3A_303 = arith.constant 0 : index
      %get3A_304 = tpu.vector_load %arg8[%get3A_303] {strides = array<i32>} : memref<80xi32, #tpu.memory_space<vmem>>, vector<16xi32>,
      %eq3A_305 = arith.constant 49408 : i32
      %eq3A_306 = vector.broadcast %eq3A_305 : i32 to vector<16xi32>
      %eq3A_307 = arith.cmpi eq, %get3A_304, %eq3A_306 : vector<16xi32>
      %add3A_308 = arith.constant 49408 : i32
      %add3A_309 = vector.broadcast %add3A_308 : i32 to vector<16xi32>
      %add3A_310 = arith.addi %add3A_309, %iota3A : vector<16xi32>
      %select_n3A_311 = arith.select %eq3A_307, %add3A_310, %get3A_304 : vector<16xi1>, vector<16xi32>
      tpu.vector_store_idx %arg6[%select_n3A_311], %broadcast_in_dim3A_3 : memref<49424xf32, #tpu.memory_space<vmem>>[vector<16xi32>], vector<16xf32>,
      %get3A_312 = arith.constant 16 : index
      %get3A_313 = tpu.vector_load %arg8[%get3A_312] {strides = array<i32>} : memref<80xi32, #tpu.memory_space<vmem>>, vector<16xi32>,
      %eq3A_314 = arith.constant 49408 : i32
      %eq3A_315 = vector.broadcast %eq3A_314 : i32 to vector<16xi32>
      %eq3A_316 = arith.cmpi eq, %get3A_313, %eq3A_315 : vector<16xi32>
      %add3A_317 = arith.constant 49408 : i32
      %add3A_318 = vector.broadcast %add3A_317 : i32 to vector<16xi32>
      %add3A_319 = arith.addi %add3A_318, %iota3A : vector<16xi32>
      %select_n3A_320 = arith.select %eq3A_316, %add3A_319, %get3A_313 : vector<16xi1>, vector<16xi32>
      tpu.vector_store_idx %arg6[%select_n3A_320], %broadcast_in_dim3A_3 : memref<49424xf32, #tpu.memory_space<vmem>>[vector<16xi32>], vector<16xf32>,
      %get3A_321 = arith.constant 32 : index
      %get3A_322 = tpu.vector_load %arg8[%get3A_321] {strides = array<i32>} : memref<80xi32, #tpu.memory_space<vmem>>, vector<16xi32>,
      %eq3A_323 = arith.constant 49408 : i32
      %eq3A_324 = vector.broadcast %eq3A_323 : i32 to vector<16xi32>
      %eq3A_325 = arith.cmpi eq, %get3A_322, %eq3A_324 : vector<16xi32>
      %add3A_326 = arith.constant 49408 : i32
      %add3A_327 = vector.broadcast %add3A_326 : i32 to vector<16xi32>
      %add3A_328 = arith.addi %add3A_327, %iota3A : vector<16xi32>
      %select_n3A_329 = arith.select %eq3A_325, %add3A_328, %get3A_322 : vector<16xi1>, vector<16xi32>
      tpu.vector_store_idx %arg6[%select_n3A_329], %broadcast_in_dim3A_3 : memref<49424xf32, #tpu.memory_space<vmem>>[vector<16xi32>], vector<16xf32>,
      %get3A_330 = arith.constant 48 : index
      %get3A_331 = tpu.vector_load %arg8[%get3A_330] {strides = array<i32>} : memref<80xi32, #tpu.memory_space<vmem>>, vector<16xi32>,
      %eq3A_332 = arith.constant 49408 : i32
      %eq3A_333 = vector.broadcast %eq3A_332 : i32 to vector<16xi32>
      %eq3A_334 = arith.cmpi eq, %get3A_331, %eq3A_333 : vector<16xi32>
      %add3A_335 = arith.constant 49408 : i32
      %add3A_336 = vector.broadcast %add3A_335 : i32 to vector<16xi32>
      %add3A_337 = arith.addi %add3A_336, %iota3A : vector<16xi32>
      %select_n3A_338 = arith.select %eq3A_334, %add3A_337, %get3A_331 : vector<16xi1>, vector<16xi32>
      tpu.vector_store_idx %arg6[%select_n3A_338], %broadcast_in_dim3A_3 : memref<49424xf32, #tpu.memory_space<vmem>>[vector<16xi32>], vector<16xf32>,
      %get3A_339 = arith.constant 64 : index
      %get3A_340 = tpu.vector_load %arg8[%get3A_339] {strides = array<i32>} : memref<80xi32, #tpu.memory_space<vmem>>, vector<16xi32>,
      %eq3A_341 = arith.constant 49408 : i32
      %eq3A_342 = vector.broadcast %eq3A_341 : i32 to vector<16xi32>
      %eq3A_343 = arith.cmpi eq, %get3A_340, %eq3A_342 : vector<16xi32>
      %add3A_344 = arith.constant 49408 : i32
      %add3A_345 = vector.broadcast %add3A_344 : i32 to vector<16xi32>
      %add3A_346 = arith.addi %add3A_345, %iota3A : vector<16xi32>
      %select_n3A_347 = arith.select %eq3A_343, %add3A_346, %get3A_340 : vector<16xi1>, vector<16xi32>
      tpu.vector_store_idx %arg6[%select_n3A_347], %broadcast_in_dim3A_3 : memref<49424xf32, #tpu.memory_space<vmem>>[vector<16xi32>], vector<16xf32>,
      %add3A_348 = arith.constant 1 : i32
      %add3A_349 = arith.addi %add3A_168, %add3A_348 : i32
      "tpu.region"() ({
        %run_scoped3A = tpu.sem_alloc : memref<!tpu.dma_semaphore, #tpu.memory_space<semaphore_mem>>
        %dma_start3A_415 = arith.constant 0 : i32
        %dma_start3A_416 = tpu.memref_slice %arg3[%add3A_349, %dma_start3A_415] : memref<1024x80xi32, #tpu.memory_space<hbm>> -> memref<1x80xi32, #tpu.memory_space<hbm>>
        %dma_start3A_417 = tpu.memref_squeeze %dma_start3A_416 : memref<1x80xi32, #tpu.memory_space<hbm>> -> memref<80xi32, #tpu.memory_space<hbm>>
        %dma_start3A_418 = arith.constant 0 : i32
        %dma_start3A_419 = tpu.memref_slice %arg3[%add3A_349, %dma_start3A_418] : memref<1024x80xi32, #tpu.memory_space<hbm>> -> memref<1x80xi32, #tpu.memory_space<hbm>>
        %dma_start3A_420 = tpu.memref_squeeze %dma_start3A_419 : memref<1x80xi32, #tpu.memory_space<hbm>> -> memref<80xi32, #tpu.memory_space<hbm>>
        tpu.enqueue_dma source(%dma_start3A_420 : memref<80xi32, #tpu.memory_space<hbm>>) target(%arg8 : memref<80xi32, #tpu.memory_space<vmem>>) target_semaphore(%run_scoped3A : memref<!tpu.dma_semaphore, #tpu.memory_space<semaphore_mem>>)
        %dma_wait3A_421 = arith.constant 0 : i32
        %dma_wait3A_422 = tpu.memref_slice %arg3[%add3A_349, %dma_wait3A_421] : memref<1024x80xi32, #tpu.memory_space<hbm>> -> memref<1x80xi32, #tpu.memory_space<hbm>>
        %dma_wait3A_423 = tpu.memref_squeeze %dma_wait3A_422 : memref<1x80xi32, #tpu.memory_space<hbm>> -> memref<80xi32, #tpu.memory_space<hbm>>
        %dma_wait3A_424 = arith.constant 0 : i32
        %dma_wait3A_425 = tpu.memref_slice %arg3[%add3A_349, %dma_wait3A_424] : memref<1024x80xi32, #tpu.memory_space<hbm>> -> memref<1x80xi32, #tpu.memory_space<hbm>>
        %dma_wait3A_426 = tpu.memref_squeeze %dma_wait3A_425 : memref<1x80xi32, #tpu.memory_space<hbm>> -> memref<80xi32, #tpu.memory_space<hbm>>
        tpu.wait_dma2 semaphore(%run_scoped3A : memref<!tpu.dma_semaphore, #tpu.memory_space<semaphore_mem>>) src(%dma_wait3A_426 : memref<80xi32, #tpu.memory_space<hbm>>) dst(%arg8 : memref<80xi32, #tpu.memory_space<vmem>>)
        tpu.yield
      }) : () -> ()
      "tpu.region"() ({
        %run_scoped3A = tpu.sem_alloc : memref<!tpu.dma_semaphore, #tpu.memory_space<semaphore_mem>>
        %dma_start3A_415 = arith.constant 0 : i32
        %dma_start3A_416 = tpu.memref_slice %arg2[%add3A_349, %dma_start3A_415] : memref<1024x80xf32, #tpu.memory_space<hbm>> -> memref<1x80xf32, #tpu.memory_space<hbm>>
        %dma_start3A_417 = tpu.memref_squeeze %dma_start3A_416 : memref<1x80xf32, #tpu.memory_space<hbm>> -> memref<80xf32, #tpu.memory_space<hbm>>
        %dma_start3A_418 = arith.constant 0 : i32
        %dma_start3A_419 = tpu.memref_slice %arg2[%add3A_349, %dma_start3A_418] : memref<1024x80xf32, #tpu.memory_space<hbm>> -> memref<1x80xf32, #tpu.memory_space<hbm>>
        %dma_start3A_420 = tpu.memref_squeeze %dma_start3A_419 : memref<1x80xf32, #tpu.memory_space<hbm>> -> memref<80xf32, #tpu.memory_space<hbm>>
        tpu.enqueue_dma source(%dma_start3A_420 : memref<80xf32, #tpu.memory_space<hbm>>) target(%arg10 : memref<80xf32, #tpu.memory_space<vmem>>) target_semaphore(%run_scoped3A : memref<!tpu.dma_semaphore, #tpu.memory_space<semaphore_mem>>)
        %dma_wait3A_421 = arith.constant 0 : i32
        %dma_wait3A_422 = tpu.memref_slice %arg2[%add3A_349, %dma_wait3A_421] : memref<1024x80xf32, #tpu.memory_space<hbm>> -> memref<1x80xf32, #tpu.memory_space<hbm>>
        %dma_wait3A_423 = tpu.memref_squeeze %dma_wait3A_422 : memref<1x80xf32, #tpu.memory_space<hbm>> -> memref<80xf32, #tpu.memory_space<hbm>>
        %dma_wait3A_424 = arith.constant 0 : i32
        %dma_wait3A_425 = tpu.memref_slice %arg2[%add3A_349, %dma_wait3A_424] : memref<1024x80xf32, #tpu.memory_space<hbm>> -> memref<1x80xf32, #tpu.memory_space<hbm>>
        %dma_wait3A_426 = tpu.memref_squeeze %dma_wait3A_425 : memref<1x80xf32, #tpu.memory_space<hbm>> -> memref<80xf32, #tpu.memory_space<hbm>>
        tpu.wait_dma2 semaphore(%run_scoped3A : memref<!tpu.dma_semaphore, #tpu.memory_space<semaphore_mem>>) src(%dma_wait3A_426 : memref<80xf32, #tpu.memory_space<hbm>>) dst(%arg10 : memref<80xf32, #tpu.memory_space<vmem>>)
        tpu.yield
      }) : () -> ()
      %get3A_350 = arith.constant 0 : index
      %get3A_351 = tpu.vector_load %arg8[%get3A_350] {strides = array<i32>} : memref<80xi32, #tpu.memory_space<vmem>>, vector<16xi32>,
      %eq3A_352 = arith.constant 49408 : i32
      %eq3A_353 = vector.broadcast %eq3A_352 : i32 to vector<16xi32>
      %eq3A_354 = arith.cmpi eq, %get3A_351, %eq3A_353 : vector<16xi32>
      %add3A_355 = arith.constant 49408 : i32
      %add3A_356 = vector.broadcast %add3A_355 : i32 to vector<16xi32>
      %add3A_357 = arith.addi %add3A_356, %iota3A : vector<16xi32>
      %select_n3A_358 = arith.select %eq3A_354, %add3A_357, %get3A_351 : vector<16xi1>, vector<16xi32>
      %get3A_359 = arith.constant 0 : index
      %get3A_360 = tpu.vector_load %arg10[%get3A_359] {strides = array<i32>} : memref<80xf32, #tpu.memory_space<vmem>>, vector<16xf32>,
      tpu.vector_store_idx %arg6[%select_n3A_358], %get3A_360 : memref<49424xf32, #tpu.memory_space<vmem>>[vector<16xi32>], vector<16xf32>,
      %get3A_361 = arith.constant 16 : index
      %get3A_362 = tpu.vector_load %arg8[%get3A_361] {strides = array<i32>} : memref<80xi32, #tpu.memory_space<vmem>>, vector<16xi32>,
      %eq3A_363 = arith.constant 49408 : i32
      %eq3A_364 = vector.broadcast %eq3A_363 : i32 to vector<16xi32>
      %eq3A_365 = arith.cmpi eq, %get3A_362, %eq3A_364 : vector<16xi32>
      %add3A_366 = arith.constant 49408 : i32
      %add3A_367 = vector.broadcast %add3A_366 : i32 to vector<16xi32>
      %add3A_368 = arith.addi %add3A_367, %iota3A : vector<16xi32>
      %select_n3A_369 = arith.select %eq3A_365, %add3A_368, %get3A_362 : vector<16xi1>, vector<16xi32>
      %get3A_370 = arith.constant 16 : index
      %get3A_371 = tpu.vector_load %arg10[%get3A_370] {strides = array<i32>} : memref<80xf32, #tpu.memory_space<vmem>>, vector<16xf32>,
      tpu.vector_store_idx %arg6[%select_n3A_369], %get3A_371 : memref<49424xf32, #tpu.memory_space<vmem>>[vector<16xi32>], vector<16xf32>,
      %get3A_372 = arith.constant 32 : index
      %get3A_373 = tpu.vector_load %arg8[%get3A_372] {strides = array<i32>} : memref<80xi32, #tpu.memory_space<vmem>>, vector<16xi32>,
      %eq3A_374 = arith.constant 49408 : i32
      %eq3A_375 = vector.broadcast %eq3A_374 : i32 to vector<16xi32>
      %eq3A_376 = arith.cmpi eq, %get3A_373, %eq3A_375 : vector<16xi32>
      %add3A_377 = arith.constant 49408 : i32
      %add3A_378 = vector.broadcast %add3A_377 : i32 to vector<16xi32>
      %add3A_379 = arith.addi %add3A_378, %iota3A : vector<16xi32>
      %select_n3A_380 = arith.select %eq3A_376, %add3A_379, %get3A_373 : vector<16xi1>, vector<16xi32>
      %get3A_381 = arith.constant 32 : index
      %get3A_382 = tpu.vector_load %arg10[%get3A_381] {strides = array<i32>} : memref<80xf32, #tpu.memory_space<vmem>>, vector<16xf32>,
      tpu.vector_store_idx %arg6[%select_n3A_380], %get3A_382 : memref<49424xf32, #tpu.memory_space<vmem>>[vector<16xi32>], vector<16xf32>,
      %get3A_383 = arith.constant 48 : index
      %get3A_384 = tpu.vector_load %arg8[%get3A_383] {strides = array<i32>} : memref<80xi32, #tpu.memory_space<vmem>>, vector<16xi32>,
      %eq3A_385 = arith.constant 49408 : i32
      %eq3A_386 = vector.broadcast %eq3A_385 : i32 to vector<16xi32>
      %eq3A_387 = arith.cmpi eq, %get3A_384, %eq3A_386 : vector<16xi32>
      %add3A_388 = arith.constant 49408 : i32
      %add3A_389 = vector.broadcast %add3A_388 : i32 to vector<16xi32>
      %add3A_390 = arith.addi %add3A_389, %iota3A : vector<16xi32>
      %select_n3A_391 = arith.select %eq3A_387, %add3A_390, %get3A_384 : vector<16xi1>, vector<16xi32>
      %get3A_392 = arith.constant 48 : index
      %get3A_393 = tpu.vector_load %arg10[%get3A_392] {strides = array<i32>} : memref<80xf32, #tpu.memory_space<vmem>>, vector<16xf32>,
      tpu.vector_store_idx %arg6[%select_n3A_391], %get3A_393 : memref<49424xf32, #tpu.memory_space<vmem>>[vector<16xi32>], vector<16xf32>,
      %get3A_394 = arith.constant 64 : index
      %get3A_395 = tpu.vector_load %arg8[%get3A_394] {strides = array<i32>} : memref<80xi32, #tpu.memory_space<vmem>>, vector<16xi32>,
      %eq3A_396 = arith.constant 49408 : i32
      %eq3A_397 = vector.broadcast %eq3A_396 : i32 to vector<16xi32>
      %eq3A_398 = arith.cmpi eq, %get3A_395, %eq3A_397 : vector<16xi32>
      %add3A_399 = arith.constant 49408 : i32
      %add3A_400 = vector.broadcast %add3A_399 : i32 to vector<16xi32>
      %add3A_401 = arith.addi %add3A_400, %iota3A : vector<16xi32>
      %select_n3A_402 = arith.select %eq3A_398, %add3A_401, %get3A_395 : vector<16xi1>, vector<16xi32>
      %get3A_403 = arith.constant 64 : index
      %get3A_404 = tpu.vector_load %arg10[%get3A_403] {strides = array<i32>} : memref<80xf32, #tpu.memory_space<vmem>>, vector<16xf32>,
      tpu.vector_store_idx %arg6[%select_n3A_402], %get3A_404 : memref<49424xf32, #tpu.memory_space<vmem>>[vector<16xi32>], vector<16xf32>,
      %dma_start3A_405 = arith.constant 0 : i32
      %dma_start3A_406 = tpu.memref_slice %arg6[%dma_start3A_405] : memref<49424xf32, #tpu.memory_space<vmem>> -> memref<49408xf32, #tpu.memory_space<vmem>>
      %dma_start3A_407 = arith.constant 0 : i32
      %dma_start3A_408 = tpu.memref_slice %arg4[%add3A_349, %dma_start3A_407] : memref<1024x49408xf32, #tpu.memory_space<hbm>> -> memref<1x49408xf32, #tpu.memory_space<hbm>>
      %dma_start3A_409 = tpu.memref_squeeze %dma_start3A_408 : memref<1x49408xf32, #tpu.memory_space<hbm>> -> memref<49408xf32, #tpu.memory_space<hbm>>
      %dma_start3A_410 = arith.constant 0 : i32
      %dma_start3A_411 = tpu.memref_slice %arg4[%add3A_349, %dma_start3A_410] : memref<1024x49408xf32, #tpu.memory_space<hbm>> -> memref<1x49408xf32, #tpu.memory_space<hbm>>
      %dma_start3A_412 = tpu.memref_squeeze %dma_start3A_411 : memref<1x49408xf32, #tpu.memory_space<hbm>> -> memref<49408xf32, #tpu.memory_space<hbm>>
      %dma_start3A_413 = arith.constant 0 : i32
      %dma_start3A_414 = tpu.memref_slice %arg6[%dma_start3A_413] : memref<49424xf32, #tpu.memory_space<vmem>> -> memref<49408xf32, #tpu.memory_space<vmem>>
      tpu.enqueue_dma source(%dma_start3A_414 : memref<49408xf32, #tpu.memory_space<vmem>>) target(%dma_start3A_412 : memref<49408xf32, #tpu.memory_space<hbm>>) target_semaphore(%arg12 : memref<!tpu.dma_semaphore, #tpu.memory_space<semaphore_mem>>)
    }
    %scan3A_140 = arith.constant 15 : i32
    %add3A_141 = arith.constant 32 : i32
    %add3A_142 = arith.addi %mul3A_2, %add3A_141 : i32
    %sub3A = arith.constant 2 : i32
    %sub3A_143 = arith.subi %add3A_142, %sub3A : i32
    %dma_wait3A = arith.constant 0 : i32
    %dma_wait3A_144 = tpu.memref_slice %arg5[%dma_wait3A] : memref<49424xf32, #tpu.memory_space<vmem>> -> memref<49408xf32, #tpu.memory_space<vmem>>
    %dma_wait3A_145 = arith.constant 0 : i32
    %dma_wait3A_146 = tpu.memref_slice %arg4[%sub3A_143, %dma_wait3A_145] : memref<1024x49408xf32, #tpu.memory_space<hbm>> -> memref<1x49408xf32, #tpu.memory_space<hbm>>
    %dma_wait3A_147 = tpu.memref_squeeze %dma_wait3A_146 : memref<1x49408xf32, #tpu.memory_space<hbm>> -> memref<49408xf32, #tpu.memory_space<hbm>>
    %dma_wait3A_148 = arith.constant 0 : i32
    %dma_wait3A_149 = tpu.memref_slice %arg4[%sub3A_143, %dma_wait3A_148] : memref<1024x49408xf32, #tpu.memory_space<hbm>> -> memref<1x49408xf32, #tpu.memory_space<hbm>>
    %dma_wait3A_150 = tpu.memref_squeeze %dma_wait3A_149 : memref<1x49408xf32, #tpu.memory_space<hbm>> -> memref<49408xf32, #tpu.memory_space<hbm>>
    %dma_wait3A_151 = arith.constant 0 : i32
    %dma_wait3A_152 = tpu.memref_slice %arg5[%dma_wait3A_151] : memref<49424xf32, #tpu.memory_space<vmem>> -> memref<49408xf32, #tpu.memory_space<vmem>>
    tpu.wait_dma2 semaphore(%arg11 : memref<!tpu.dma_semaphore, #tpu.memory_space<semaphore_mem>>) src(%dma_wait3A_152 : memref<49408xf32, #tpu.memory_space<vmem>>) dst(%dma_wait3A_150 : memref<49408xf32, #tpu.memory_space<hbm>>)
    %add3A_153 = arith.constant 1 : i32
    %add3A_154 = arith.addi %sub3A_143, %add3A_153 : i32
    %dma_wait3A_155 = arith.constant 0 : i32
    %dma_wait3A_156 = tpu.memref_slice %arg6[%dma_wait3A_155] : memref<49424xf32, #tpu.memory_space<vmem>> -> memref<49408xf32, #tpu.memory_space<vmem>>
    %dma_wait3A_157 = arith.constant 0 : i32
    %dma_wait3A_158 = tpu.memref_slice %arg4[%add3A_154, %dma_wait3A_157] : memref<1024x49408xf32, #tpu.memory_space<hbm>> -> memref<1x49408xf32, #tpu.memory_space<hbm>>
    %dma_wait3A_159 = tpu.memref_squeeze %dma_wait3A_158 : memref<1x49408xf32, #tpu.memory_space<hbm>> -> memref<49408xf32, #tpu.memory_space<hbm>>
    %dma_wait3A_160 = arith.constant 0 : i32
    %dma_wait3A_161 = tpu.memref_slice %arg4[%add3A_154, %dma_wait3A_160] : memref<1024x49408xf32, #tpu.memory_space<hbm>> -> memref<1x49408xf32, #tpu.memory_space<hbm>>
    %dma_wait3A_162 = tpu.memref_squeeze %dma_wait3A_161 : memref<1x49408xf32, #tpu.memory_space<hbm>> -> memref<49408xf32, #tpu.memory_space<hbm>>
    %dma_wait3A_163 = arith.constant 0 : i32
    %dma_wait3A_164 = tpu.memref_slice %arg6[%dma_wait3A_163] : memref<49424xf32, #tpu.memory_space<vmem>> -> memref<49408xf32, #tpu.memory_space<vmem>>
    tpu.wait_dma2 semaphore(%arg12 : memref<!tpu.dma_semaphore, #tpu.memory_space<semaphore_mem>>) src(%dma_wait3A_164 : memref<49408xf32, #tpu.memory_space<vmem>>) dst(%dma_wait3A_162 : memref<49408xf32, #tpu.memory_space<hbm>>)
    return
  }
}

module attributes {stable_mosaic.version = 14 : i64} {
  func.func @_tok_tc_kernel(%arg0: i32, %arg1: memref<8x77x768xf32, #tpu.memory_space<vmem>>, %arg2: memref<8x77xf32, #tpu.memory_space<vmem>>, %arg3: memref<1x768xf32, #tpu.memory_space<vmem>>, %arg4: memref<1x1xf32, #tpu.memory_space<vmem>>, %arg5: memref<8x77xi32, #tpu.memory_space<vmem>>, %arg6: memref<8x77xf32, #tpu.memory_space<vmem>>, %arg7: memref<8x77xi32, #tpu.memory_space<vmem>>) attributes {dimension_semantics = [#tpu.dimension_semantics<arbitrary>], iteration_bounds = array<i64: 128>, scalar_prefetch = 0 : i64, scratch_operands = 0 : i64, tpu.core_type = #tpu.core_type<tc>, window_params = [{transform_indices = @transform_0, window_bounds = array<i64: 8, 77, 768>}, {transform_indices = @transform_1, window_bounds = array<i64: 8, 77>}, {pipeline_mode = #tpu.pipeline_mode<synchronous>, transform_indices = @transform_2, window_bounds = array<i64: 1, 768>}, {pipeline_mode = #tpu.pipeline_mode<synchronous>, transform_indices = @transform_3, window_bounds = array<i64: 1, 1>}, {transform_indices = @transform_4, window_bounds = array<i64: 8, 77>}, {transform_indices = @transform_5, window_bounds = array<i64: 8, 77>}, {transform_indices = @transform_6, window_bounds = array<i64: 8, 77>}]} {
    %get3A = arith.constant 0 : index
    %get3A_0 = arith.constant 0 : index
    %get3A_1 = arith.constant 0 : index
    %get3A_2 = vector.load %arg1[%get3A, %get3A_0, %get3A_1] : memref<8x77x768xf32, #tpu.memory_space<vmem>>, vector<8x77x768xf32>
    %get3A_3 = arith.constant 0 : index
    %get3A_4 = arith.constant 0 : index
    %get3A_5 = vector.load %arg3[%get3A_3, %get3A_4] : memref<1x768xf32, #tpu.memory_space<vmem>>, vector<1x768xf32>
    %broadcast_in_dim3A = vector.shape_cast %get3A_5 : vector<1x768xf32> to vector<1x1x768xf32>
    %mul3A = vector.broadcast %broadcast_in_dim3A : vector<1x1x768xf32> to vector<8x77x768xf32>
    %mul3A_6 = arith.mulf %get3A_2, %mul3A : vector<8x77x768xf32>
    %reduce_sum3A = arith.constant dense<0.000000e+00> : vector<8x77xf32>
    %reduce_sum3A_7 = vector.multi_reduction <add>, %mul3A_6, %reduce_sum3A [2] : vector<8x77x768xf32> to vector<8x77xf32>
    %get3A_8 = arith.constant 0 : index
    %get3A_9 = arith.constant 0 : index
    %get3A_10 = vector.load %arg4[%get3A_8, %get3A_9] : memref<1x1xf32, #tpu.memory_space<vmem>>, vector<1x1xf32>
    %get3A_11 = vector.extract %get3A_10[0, 0] : f32 from vector<1x1xf32>
    %add3A = vector.broadcast %get3A_11 : f32 to vector<8x77xf32>
    %add3A_12 = arith.addf %reduce_sum3A_7, %add3A : vector<8x77xf32>
    %max3A = arith.constant 0.000000e+00 : f32
    %max3A_13 = vector.broadcast %max3A : f32 to vector<8x77xf32>
    %max3A_14 = arith.maximumf %add3A_12, %max3A_13 : vector<8x77xf32>
    %log1p3A = math.log1p %max3A_14 : vector<8x77xf32>
    %get3A_15 = arith.constant 0 : index
    %get3A_16 = arith.constant 0 : index
    %get3A_17 = vector.load %arg2[%get3A_15, %get3A_16] : memref<8x77xf32, #tpu.memory_space<vmem>>, vector<8x77xf32>
    %mul3A_18 = arith.mulf %log1p3A, %get3A_17 : vector<8x77xf32>
    %swap3A = arith.constant 0 : index
    %swap3A_19 = arith.constant 0 : index
    %swap3A_20 = vector.load %arg6[%swap3A, %swap3A_19] : memref<8x77xf32, #tpu.memory_space<vmem>>, vector<8x77xf32>
    tpu.vector_store %arg6[%swap3A, %swap3A_19], %mul3A_18 {strides = array<i32>} : memref<8x77xf32, #tpu.memory_space<vmem>>, vector<8x77xf32>,
    %get3A_21 = arith.constant 0 : index
    %get3A_22 = arith.constant 0 : index
    %get3A_23 = vector.load %arg5[%get3A_21, %get3A_22] : memref<8x77xi32, #tpu.memory_space<vmem>>, vector<8x77xi32>
    %broadcast_in_dim3A_24 = vector.shape_cast %get3A_23 : vector<8x77xi32> to vector<8x77x1xi32>
    %broadcast_in_dim3A_25 = vector.shape_cast %get3A_23 : vector<8x77xi32> to vector<8x1x77xi32>
    %eq3A = vector.broadcast %broadcast_in_dim3A_24 : vector<8x77x1xi32> to vector<8x77x77xi32>
    %eq3A_26 = vector.broadcast %broadcast_in_dim3A_25 : vector<8x1x77xi32> to vector<8x77x77xi32>
    %eq3A_27 = arith.cmpi eq, %eq3A, %eq3A_26 : vector<8x77x77xi32>
    %iota3A = tpu.iota {dimensions = array<i32: 2>} : vector<8x77x77xi32>
    %iota3A_28 = tpu.iota {dimensions = array<i32: 1>} : vector<8x77x77xi32>
    %gt3A = arith.cmpi sgt, %iota3A, %iota3A_28 : vector<8x77x77xi32>
    %and3A = arith.andi %eq3A_27, %gt3A : vector<8x77x77xi1>
    %jit3A = arith.constant 1 : i32
    %jit3A_29 = arith.constant 0 : i32
    %broadcast_in_dim3A_30 = vector.broadcast %jit3A : i32 to vector<8x77x77xi32>
    %broadcast_in_dim3A_31 = vector.broadcast %jit3A_29 : i32 to vector<8x77x77xi32>
    %select_n3A = arith.select %and3A, %broadcast_in_dim3A_30, %broadcast_in_dim3A_31 : vector<8x77x77xi1>, vector<8x77x77xi32>
    %reduce_max3A = arith.constant dense<-2147483648> : vector<8x77xi32>
    %reduce_max3A_32 = vector.multi_reduction <maxsi>, %select_n3A, %reduce_max3A [2] : vector<8x77x77xi32> to vector<8x77xi32>
    %eq3A_33 = arith.constant 1 : i32
    %eq3A_34 = vector.broadcast %eq3A_33 : i32 to vector<8x77xi32>
    %eq3A_35 = arith.cmpi eq, %reduce_max3A_32, %eq3A_34 : vector<8x77xi32>
    %jit3A_36 = arith.constant 49408 : i32
    %broadcast_in_dim3A_37 = vector.broadcast %jit3A_36 : i32 to vector<8x77xi32>
    %select_n3A_38 = arith.select %eq3A_35, %broadcast_in_dim3A_37, %get3A_23 : vector<8x77xi1>, vector<8x77xi32>
    %swap3A_39 = arith.constant 0 : index
    %swap3A_40 = arith.constant 0 : index
    %swap3A_41 = vector.load %arg7[%swap3A_39, %swap3A_40] : memref<8x77xi32, #tpu.memory_space<vmem>>, vector<8x77xi32>
    tpu.vector_store %arg7[%swap3A_39, %swap3A_40], %select_n3A_38 {strides = array<i32>} : memref<8x77xi32, #tpu.memory_space<vmem>>, vector<8x77xi32>,
    return
  }
  func.func @transform_0(%arg0: i32) -> (i32, i32, i32) {
    %c0_i32 = arith.constant 0 : i32
    %c0_i32_0 = arith.constant 0 : i32
    %c0_i32_1 = arith.constant 0 : i32
    return %arg0, %c0_i32, %c0_i32_0 : i32, i32, i32
  }
  func.func @transform_1(%arg0: i32) -> (i32, i32) {
    %c0_i32 = arith.constant 0 : i32
    %c0_i32_0 = arith.constant 0 : i32
    return %arg0, %c0_i32 : i32, i32
  }
  func.func @transform_2(%arg0: i32) -> (i32, i32) {
    %c0_i32 = arith.constant 0 : i32
    %c0_i32_0 = arith.constant 0 : i32
    %c0_i32_1 = arith.constant 0 : i32
    return %c0_i32, %c0_i32_0 : i32, i32
  }
  func.func @transform_3(%arg0: i32) -> (i32, i32) {
    %c0_i32 = arith.constant 0 : i32
    %c0_i32_0 = arith.constant 0 : i32
    %c0_i32_1 = arith.constant 0 : i32
    return %c0_i32, %c0_i32_0 : i32, i32
  }
  func.func @transform_4(%arg0: i32) -> (i32, i32) {
    %c0_i32 = arith.constant 0 : i32
    %c0_i32_0 = arith.constant 0 : i32
    return %arg0, %c0_i32 : i32, i32
  }
  func.func @transform_5(%arg0: i32) -> (i32, i32) {
    %c0_i32 = arith.constant 0 : i32
    %c0_i32_0 = arith.constant 0 : i32
    return %arg0, %c0_i32 : i32, i32
  }
  func.func @transform_6(%arg0: i32) -> (i32, i32) {
    %c0_i32 = arith.constant 0 : i32
    %c0_i32_0 = arith.constant 0 : i32
    return %arg0, %c0_i32 : i32, i32
  }
}

</mosaic_0001>

<sc_bundles>
// kernel: kernel.4.cloned.1.call-start
scs
__scs_entry_jumppad:
0x0: {  	(pc) =	sbr.rel $0x88, $3  }
0x1: {  	(tag) =	ssettag $0x0;
	lr =	simm.s32 $0x1  }
0x2: {  	[smem:$0x3F9C] =	sst lr;
	_ =	strace $0xD0000000  }
0x3: {  	_ = 	snop  }
0x4: {  	_ = 	snop  }
0x5: {  	_ = 	snop  }
0x6: {  	_ = 	snop  }
0x7: {  	_ = 	snop  }
__scs_overlays_trampoline_lowered:
0x8: {  	[smem:$0x3FAB] =	sst s0  }
0x9: {  	[smem:$0x3FAC] =	sst s1  }
0xa: {  	[smem:$0x3FAD] =	sst s2  }
0xb: {  	[smem:$0x3FAE] =	sst s3  }
0xc: {  	[smem:$0x3FAF] =	sst s4  }
0xd: {  	[smem:$0x3FB0] =	sst s5  }
0xe: {  	[smem:$0x3FB1] =	sst s6  }
0xf: {  	[smem:$0x3FB2] =	sst s7  }
0x10: {  	[smem:$0x3FB3] =	sst s8  }
0x11: {  	[smem:$0x3FB4] =	sst s9;
	s0 =	simm.s32 @!p0 $0x0  }
0x12: {  	s1 =	sld [smem:$0x3F9A];
	s0 =	simm.s32 @p0 $0x1  }
0x13: {  	[smem:$0x3FB5] =	sst s0;
	s0 =	simm.s32 @!p1 $0x0  }
0x14: {  	s2 =	sld [smem:$0x3F99];
	s0 =	simm.s32 @p1 $0x1  }
0x15: {  	[smem:$0x3FB6] =	sst s0;
	s0 =	simm.s32 @!p2 $0x0  }
0x16: {  	s3 =	sld [smem:$0x3FDB];
	s0 =	simm.s32 @p2 $0x1  }
0x17: {  	s4 =	simm.s32 $0x1BF5;
	[smem:$0x3FB8] =	sst s0  }
0x18: {  	s0 =	sld [smem:$0x3F9B];
	_ =	swait.ge [sflag:s4], $0x0  }
0x19: {  	s7 =	sld [smem:$0x3F9C]  }
0x1a: {  	s8 =	sadd.s32 $0xFFFFE003, lr  }
0x1b: {  	s9 =	sadd.s32 $0xFFFFFEF7, lr;
	s5 =	simm.s32 $0xFFFFFFFF;
	p2 =	slt.u32 s8, $0xFFFFF086  }
0x1c: {  	p1 =	slt.u32 s9, $0xF7A;
	s5 =	simm.s32 @!p2 $0x0  }
0x1d: {  	s5 =	simm.s32 @p1 $0x1;
	p0 =	seq.s32 s7, s2  }
0x1e: {  	s7 =	smul.u32 @!p0 $0xF7A, s2;
	p2 =	seq.s32 @!p0 s5, $0x0  }
0x1f: {  	s9 =	smul.u32 $0xF7A, s1;
	s8 =	simm.s32 @!p0 $0x1BF5;
	p2 =	por !p2, p0  }
0x20: {  	[sflag:s8] =	ssyncset.s32 @!p0 $0xFFFFF086;
	s6 =	sadd.s32 @!p0 s3, s7;
	s7 =	simm.s32 @!p0 $0x108  }
0x21: {  	s3 =	sadd.s32 s3, s9;
	s6 =	sadd.s32 @!p0 $0x88, s6;
	s7 =	simm.s32 @p2 $0x1082  }
0x22: {  	[simem:s7], [sflag:s8] =	dma.local @!p0 [hbm:s6], $0xF7A  }
0x23: {  	s9 =	sor.u32 $0xD0000000, s2;
	s6 =	simm.s32 $0x108;
	_ =	swait.ge @!p0 [sflag:s8], $0x0  }
0x24: {  	s3 =	sadd.s32 $0x88, s3;
	s6 =	simm.s32 @!p1 $0x1082;
	[sflag:s4] =	ssyncset.s32 $0xFFFFF086  }
0x25: {  	[simem:s6], [sflag:s4] =	dma.local [hbm:s3], $0xF7A  }
0x26: {  	[smem:$0x3F9C] =	sst s1;
	(tag) =	ssettag s2;
	_ =	strace s9  }
0x27: {  	s1 =	sld [smem:$0x3FAC]  }
0x28: {  	s2 =	sld [smem:$0x3FAD]  }
0x29: {  	s4 =	sld [smem:$0x3FAF]  }
0x2a: {  	p0 =	seq.s32 s5, $0x0;
	s5 =	sld [smem:$0x3FB0]  }
0x2b: {  	s6 =	sld [smem:$0x3FB1]  }
0x2c: {  	s7 =	sld [smem:$0x3FB2]  }
0x2d: {  	s3 =	simm.s32 $0x108;
	s8 =	sld [smem:$0x3FB3]  }
0x2e: {  	s3 =	simm.s32 @!p0 $0x1082;
	s9 =	sld [smem:$0x3FB4]  }
0x2f: {  	lr =	sadd.s32 s0, s3;
	s0 =	sld [smem:$0x3FAB]  }
0x30: {  	s3 =	sld [smem:$0x3FAE]  }
0x31: {  	[smem:$0x3FB7] =	sst s10  }
0x32: {  	s10 =	sld [smem:$0x3FB5];
	_ =	sdelay $0x3  }
0x33: {  	p0 =	seq.s32 s10, $0x1;
	s10 =	sld [smem:$0x3FB7];
	_ =	sdelay $0x3  }
0x34: {  	[smem:$0x3FB7] =	sst s10  }
0x35: {  	s10 =	sld [smem:$0x3FB6];
	_ =	sdelay $0x3  }
0x36: {  	p1 =	seq.s32 s10, $0x1;
	s10 =	sld [smem:$0x3FB7];
	_ =	sdelay $0x3  }
0x37: {  	[smem:$0x3FB7] =	sst s10  }
0x38: {  	s10 =	sld [smem:$0x3FB8]  }
0x39: {  	_ = 	snop;
	(pc) =	sbr.ind lr, $3  }
0x3a: {  	_ = 	snop  }
0x3b: {  	_ = 	snop  }
0x3c: {  	p2 =	seq.s32 s10, $0x1;
	s10 =	sld [smem:$0x3FB7]  }
0x3d: {  	_ =	shalt  }
0x3e: {  	_ =	shalt  }
0x3f: {  	_ =	shalt  }
0x40: {  	_ =	shalt  }
0x41: {  	_ =	shalt  }
0x42: {  	_ =	shalt  }
0x43: {  	_ =	shalt  }
0x44: {  	_ =	shalt  }
0x45: {  	_ =	shalt  }
0x46: {  	_ =	shalt  }
0x47: {  	_ =	shalt  }
0x48: {  	_ =	shalt  }
0x49: {  	_ =	shalt  }
0x4a: {  	_ =	shalt  }
0x4b: {  	_ =	shalt  }
0x4c: {  	_ =	shalt  }
0x4d: {  	_ =	shalt  }
0x4e: {  	_ =	shalt  }
0x4f: {  	_ =	shalt  }
0x50: {  	_ =	shalt  }
0x51: {  	_ =	shalt  }
0x52: {  	_ =	shalt  }
0x53: {  	_ =	shalt  }
0x54: {  	_ =	shalt  }
0x55: {  	_ =	shalt  }
0x56: {  	_ =	shalt  }
0x57: {  	_ =	shalt  }
0x58: {  	_ =	shalt  }
0x59: {  	_ =	shalt  }
0x5a: {  	_ =	shalt  }
0x5b: {  	_ =	shalt  }
0x5c: {  	_ =	shalt  }
0x5d: {  	_ =	shalt  }
0x5e: {  	_ =	shalt  }
0x5f: {  	_ =	shalt  }
0x60: {  	_ =	shalt  }
0x61: {  	_ =	shalt  }
0x62: {  	_ =	shalt  }
0x63: {  	_ =	shalt  }
0x64: {  	_ =	shalt  }
0x65: {  	_ =	shalt  }
0x66: {  	_ =	shalt  }
0x67: {  	_ =	shalt  }
0x68: {  	_ =	shalt  }
0x69: {  	_ =	shalt  }
0x6a: {  	_ =	shalt  }
0x6b: {  	_ =	shalt  }
0x6c: {  	_ =	shalt  }
0x6d: {  	_ =	shalt  }
0x6e: {  	_ =	shalt  }
0x6f: {  	_ =	shalt  }
0x70: {  	_ =	shalt  }
0x71: {  	_ =	shalt  }
0x72: {  	_ =	shalt  }
0x73: {  	_ =	shalt  }
0x74: {  	_ =	shalt  }
0x75: {  	_ =	shalt  }
0x76: {  	_ =	shalt  }
0x77: {  	_ =	shalt  }
0x78: {  	_ =	shalt  }
0x79: {  	_ =	shalt  }
0x7a: {  	_ =	shalt  }
0x7b: {  	_ =	shalt  }
0x7c: {  	_ =	shalt  }
0x7d: {  	_ =	shalt  }
0x7e: {  	_ =	shalt  }
0x7f: {  	_ =	shalt  }
0x80: {  	_ =	shalt  }
0x81: {  	_ =	shalt  }
0x82: {  	_ =	shalt  }
0x83: {  	_ =	shalt  }
0x84: {  	_ =	shalt  }
0x85: {  	_ =	shalt  }
0x86: {  	_ =	shalt  }
0x87: {  	_ =	shalt  }
.Lfunc_end0:
.L_simem_size_0:
called_computation_lowered:
.L_overlay_start_0:
0x88: {  	s2 =	sld [smem:$0x3FD9]  }
0x89: {  	s3 =	sld [smem:$0x3FFE];
	_ =	sdelay $0x1  }
0x8a: {  	s1 =	srdreg.scid  }
0x8b: {  	s0 =	sand.u32 $0x1, s1  }
0x8c: {  	s17 =	sshll.u32 s0, $0xA;
	s2 =	sadd.s32 s3, s2  }
0x8d: {  	s2 =	sadd.s32 s2, s17  }
0x8e: {  	[smem:$0x3FC3] =	sst s2  }
0x8f: {  	_ = 	snop  }
0x90: {  	s2 =	sld [smem:$0x3FD0];
	(tm) =	ssettm $0x1  }
0x91: {  	s18 =	sld [smem:$0x3FFB];
	_ =	sdelay $0x3  }
0x92: {  	_ =	strace s18  }
0x93: {  	s3 =	sld [smem:$0x3FFC];
	_ =	sdelay $0x3  }
0x94: {  	_ =	strace s3  }
0x95: {  	s3 =	sld [smem:$0x3FFD];
	_ =	sdelay $0x3  }
0x96: {  	_ =	strace s3  }
0x97: {  	_ =	strace $0x8FFFFFFF  }
0x98: {  	s19 =	sld [smem:$0x3FDB];
	_ =	sdelay $0x1  }
0x99: {  	s4 =	simm.s32 $_scs_section_size  }
0x9a: {  	s5 =	simm.s32 $_size__tile_overlayer_lowered;
	s6 =	simm.s32 $_tile_overlayer_lowered  }
0x9b: {  	s22 =	simm.s32 $0x1BFF;
	s21 =	sshll.u32 s6, $0x1;
	s3 =	sadd.s32 s4, s19  }
0x9c: {  	s7 =	simm.s32 $0x0;
	s20 =	sshll.u32 s5, $0x1;
	s5 =	sadd.s32 s21, s3  }
0x9d: {  	[timem:s7], [sflag:s22] =	dma.local [hbm:s5], s20  }
0x9e: {  	_ =	swait.ge [sflag:s22], s20  }
0x9f: {  	s4 =	ssub.s32 $0x0, s20;
	[sflag:s22] =	ssyncset.done $0x0  }
0xa0: {  	[sflag:s22] =	ssyncadd.s32 s4;
	_ =	sdelay $0x1  }
0xa1: {  	s23 =	simm.s32 $0x1B8B  }
0xa2: {  	_ =	swait.ge [sflag:s23], $0x1  }
0xa3: {  	[sflag:s23] =	ssyncset.done $0x0  }
0xa4: {  	s25 =	simm.s32 $0x1B8E;
	s24 =	sld [smem:$0x3FFE];
	[sflag:s23] =	ssyncadd.s32 $0xFFFFFFFF  }
0xa5: {  	s26 =	simm.s32 $execute0_lowered;
	[smem:$0x3FD2] =	sst s25  }
0xa6: {  	s5 =	sshll.u32 s26, $0x1;
	_ =	strace $0x80000046;
	[dreg:$0x1] =	wrdreg $0xFFFFFFFF  }
0xa7: {  	s28 =	simm.s32 $_size_execute0_lowered;
	s3 =	sadd.s32 s3, s5;
	[dreg:$0x0] =	wrdreg $0x0  }
0xa8: {  	s5 =	sshll.u32 s28, $0x1;
	[dreg:$0x2] =	wrdreg s3  }
0xa9: {  	[dreg:$0x3] =	wrdreg s5  }
0xaa: {  	[dreg:$0x4] =	wrdreg $0xC0  }
0xab: {  	_ =	task [dreg:s7], $0x5FFFF  }
0xac: {  	[dreg:$0x1] =	wrdreg $0xFFFFFFFF  }
0xad: {  	[dreg:$0x0] =	wrdreg $0x60  }
0xae: {  	[dreg:$0x2] =	wrdreg s24  }
0xaf: {  	[dreg:$0x3] =	wrdreg s2  }
0xb0: {  	[dreg:$0x4] =	wrdreg $0x9  }
0xb1: {  	_ =	task.clear_ibuf [dreg:s7], $0x5FFFF;
	_ =	strace $0x90000046  }
0xb2: {  	s29 =	simm.s32 $0x9;
	_ =	strace $0x80000048  }
0xb3: {  	_ =	swait.ge [sflag:s29], $0x1  }
0xb4: {  	[sflag:s29] =	ssyncadd.s32 $0xFFFFFFFF  }
0xb5: {  	_ =	strace $0x90000048  }
0xb6: {  	_ =	sfence  }
0xb7: {  	s30 =	sld [smem:$0x0];
	_ =	sdelay $0x2  }
0xb8: {  	s31 =	sshll.u32 s1, $0xD;
	s1 =	sshrl.u32 s1, $0x2  }
0xb9: {  	s3 =	sand.u32 $0x4000, s31;
	s1 =	sadd.s32 s1, s30  }
0xba: {  	s0 =	sor.u32 s3, s0;
	s1 =	sshll.u32 s1, $0x11  }
0xbb: {  	s0 =	sor.u32 s1, s0  }
0xbc: {  	s0 =	sadd.s32 $0x8F2B, s0  }
0xbd: {  	[sflag:s0] =	ssyncadd.remote.s32 $0x1  }
0xbe: {  	_ =	sfence.sel $0xFFFF  }
0xbf: {  	[dreg:$0x0] =	wrdreg $0xFFFFFFFF;
	(pc) =	sbr.abs _section_cstart, $3  }
0xc0: {  	[dreg:$0x1] =	wrdreg $0xFFFFFFFF  }
0xc1: {  	_ =	task.clear_ibuf [dreg:s7], $0x2FFFF;
	_ =	strace $0x9FFFFFFF  }
0xc2: {  	(tm) =	ssettm $0x7FFFFFFF  }
0xc3: {  	_ =	shalt  }
tec
execute0_lowered:
.L_overlay_start_1:
0x0: {  	(tag) =	ssettag $0x1  }
0x1: {  	s5 =	rddreg [dreg:$0x0]  }
0x2: {  	s2 =	rddreg [dreg:$0x1];
	s4 =	srdreg.scid  }
0x3: {  	s3 =	simm.s32 $0x0;
	s1 =	stileid.u32;
	s14 =	simm.s32 $0x18300  }
0x4: {  	s15 =	simm.s32 $0x3;
	s16 =	simm.s32 $0x18400;
	s17 =	simm.s32 $0x80  }
0x5: {  	s18 =	simm.s32 $0x400;
	s19 =	simm.s32 $0x18380;
	s20 =	simm.s32 $0x18480  }
0x6: {  	s21 =	simm.s32 $0xC180;
	s22 =	simm.s32 $0x1;
	s23 =	simm.s32 $0x2  }
0x7: {  	s24 =	simm.s32 $0x0;
	s6 =	sand.u32 $0x1, s4;
	[smem:$0x7FF] =	sst s3  }
0x8: {  	s7 =	sshll.u32 s1, $0x6;
	s4 =	sadd.s32 $0x8000, s5;
	s8 =	sshll.u32 s6, $0x5  }
0x9: {  	s5 =	sadd.s32 $0x4000, s5;
	s6 =	ssub.s32 $0x2, s6;
	s13 =	sor.u32 s8, s7  }
0xa: {  	_ =	strace $0x80000047;
	s31 =	sshrl.u32 s6, $0x1;
	s7 =	sshrl.u32 s13, $0x3  }
0xb: {  	s9 =	sshll.u32 s13, $0x4;
	s12 =	ssub.s32 s6, s31;
	s10 =	smul.u32 $0xC100, s7  }
0xc: {  	s13 =	sor.u32 $0x2, s13;
	s6 =	sadd.s32 s5, s9;
	s11 =	sor.u32 $0x10, s9  }
0xd: {  	v1 =	vlaneseq.u32;
	s7 =	sadd.s32 s4, s9;
	s12 =	smax.u32 s12, $0x1;
	s8 =	sadd.s32 s2, s10  }
0xe: {  	v0 =	vimm.f32 $0.0e+00;
	v1 =	vor.u32 $0xC100, v1;
	s9 =	sadd.s32 s5, s11;
	s10 =	sadd.s32 s4, s11;
	s11 =	sadd.s32 $0x10, s8  }
.LBB2_1:
0xf: {  	s25 =	simm.s32 $0x40;
	s26 =	simm.s32 $0x0  }
.LBB2_2:
0x10: {  	p0 =	sne.s32 s25, $0x30400;
	[tilespmem:s26+$0x0] =	vst v0;
	s28 =	smov.u32 s25;
	s25 =	sadd.s32 $0x40, s25  }
.Ltmp0:
0x11: {  	[tilespmem:s26+$0xC180] =	vst v0;
	(pc) =	sbr.rel @p0 .LBB2_2-.Ltmp0, $2  }
0x12: {  	_ =	sdelay $0x2  }
0x13: {  	s26 =	sshra.s32 s28, $0x2  }
0x14: {  	[tilespmem:s26+$0x0] =	vst v0  }
0x15: {  	[tilespmem:s26+$0xC180] =	vst v0  }
0x16: {  	[tilespmem:s14], [sflag:$0x3] =	stream.linear.gather [hbm4b:s6+s3], $0x80, $0x38;
	[tilespmem:$0x18500] =	vst v63  }
0x17: {  	_ =	swait.ge [sflag:s15], $0x80  }
0x18: {  	[sflag:s15] =	ssyncset.done $0x0  }
0x19: {  	[sflag:s15] =	ssyncadd.s32 $0xFFFFFF80  }
0x1a: {  	[tilespmem:s16], [sflag:$0x3] =	stream.linear.gather [hbm4b:s7+s3], $0x80, $0x38;
	[tilespmem:$0x18500] =	vst v63  }
0x1b: {  	_ =	swait.ge [sflag:s15], $0x80  }
0x1c: {  	[sflag:s15] =	ssyncset.done $0x0  }
0x1d: {  	[sflag:s15] =	ssyncadd.s32 $0xFFFFFF80  }
0x1e: {  	v2 =	vld [tilespmem:$0x18300];
	_ =	sdelay $0x4  }
0x1f: {  	vm0 =	veq.s32 v2, $0xC100  }
0x20: {  	v3 =	vld [tilespmem:$0x18400];
	v2 =	vsel vm0, v1, v2;
	_ =	sdelay $0x4  }
0x21: {  	[tilespmem:v2+s3+$0x0] =	vst.idx.msk $0xffff, v3  }
0x22: {  	v2 =	vld [tilespmem:$0x18310];
	_ =	sdelay $0x4  }
0x23: {  	vm7 =	veq.s32 v2, $0xC100  }
0x24: {  	v3 =	vld [tilespmem:$0x18410];
	v2 =	vsel vm7, v1, v2;
	_ =	sdelay $0x4  }
0x25: {  	[tilespmem:v2+s3+$0x0] =	vst.idx.msk $0xffff, v3  }
0x26: {  	v2 =	vld [tilespmem:$0x18320];
	_ =	sdelay $0x4  }
0x27: {  	vm8 =	veq.s32 v2, $0xC100  }
0x28: {  	v3 =	vld [tilespmem:$0x18420];
	v2 =	vsel vm8, v1, v2;
	_ =	sdelay $0x4  }
0x29: {  	[tilespmem:v2+s3+$0x0] =	vst.idx.msk $0xffff, v3  }
0x2a: {  	v2 =	vld [tilespmem:$0x18330];
	_ =	sdelay $0x4  }
0x2b: {  	vm9 =	veq.s32 v2, $0xC100  }
0x2c: {  	v3 =	vld [tilespmem:$0x18430];
	v2 =	vsel vm9, v1, v2;
	_ =	sdelay $0x4  }
0x2d: {  	[tilespmem:v2+s3+$0x0] =	vst.idx.msk $0xffff, v3  }
0x2e: {  	v2 =	vld [tilespmem:$0x18340];
	_ =	sdelay $0x4  }
0x2f: {  	vm10 =	veq.s32 v2, $0xC100  }
0x30: {  	v3 =	vld [tilespmem:$0x18440];
	v2 =	vsel vm10, v1, v2;
	_ =	sdelay $0x4  }
0x31: {  	[tilespmem:v2+s3+$0x0] =	vst.idx.msk $0xffff, v3  }
0x32: {  	[hbm4b:s8+s17] =	stream.strided.scatter [tilespmem:s3], [sflag:$0x1], $0xC100, s18, s17, $0x38;
	[tilespmem:$0x18500] =	vst v63  }
0x33: {  	_ = 	snop  }
0x34: {  	[tilespmem:s19], [sflag:$0x3] =	stream.linear.gather [hbm4b:s9+s3], $0x80, $0x38;
	[tilespmem:$0x18500] =	vst v63  }
0x35: {  	_ =	swait.ge [sflag:s15], $0x80  }
0x36: {  	[sflag:s15] =	ssyncset.done $0x0  }
0x37: {  	[sflag:s15] =	ssyncadd.s32 $0xFFFFFF80  }
0x38: {  	[tilespmem:s20], [sflag:$0x3] =	stream.linear.gather [hbm4b:s10+s3], $0x80, $0x38;
	[tilespmem:$0x18500] =	vst v63  }
0x39: {  	_ =	swait.ge [sflag:s15], $0x80  }
0x3a: {  	[sflag:s15] =	ssyncset.done $0x0  }
0x3b: {  	[sflag:s15] =	ssyncadd.s32 $0xFFFFFF80  }
0x3c: {  	v2 =	vld [tilespmem:$0x18380];
	_ =	sdelay $0x4  }
0x3d: {  	vm11 =	veq.s32 v2, $0xC100  }
0x3e: {  	v3 =	vld [tilespmem:$0x18480];
	v2 =	vsel vm11, v1, v2;
	_ =	sdelay $0x4  }
0x3f: {  	[tilespmem:v2+s21+$0x0] =	vst.idx.msk $0xffff, v3  }
0x40: {  	v2 =	vld [tilespmem:$0x18390];
	_ =	sdelay $0x4  }
0x41: {  	vm12 =	veq.s32 v2, $0xC100  }
0x42: {  	v3 =	vld [tilespmem:$0x18490];
	v2 =	vsel vm12, v1, v2;
	_ =	sdelay $0x4  }
0x43: {  	[tilespmem:v2+s21+$0x0] =	vst.idx.msk $0xffff, v3  }
0x44: {  	v2 =	vld [tilespmem:$0x183A0];
	_ =	sdelay $0x4  }
0x45: {  	vm13 =	veq.s32 v2, $0xC100  }
0x46: {  	v3 =	vld [tilespmem:$0x184A0];
	v2 =	vsel vm13, v1, v2;
	_ =	sdelay $0x4  }
0x47: {  	[tilespmem:v2+s21+$0x0] =	vst.idx.msk $0xffff, v3  }
0x48: {  	v2 =	vld [tilespmem:$0x183B0];
	_ =	sdelay $0x4  }
0x49: {  	vm14 =	veq.s32 v2, $0xC100  }
0x4a: {  	v3 =	vld [tilespmem:$0x184B0];
	v2 =	vsel vm14, v1, v2;
	_ =	sdelay $0x4  }
0x4b: {  	[tilespmem:v2+s21+$0x0] =	vst.idx.msk $0xffff, v3  }
0x4c: {  	v2 =	vld [tilespmem:$0x183C0];
	_ =	sdelay $0x4  }
0x4d: {  	vm15 =	veq.s32 v2, $0xC100  }
0x4e: {  	v3 =	vld [tilespmem:$0x184C0];
	v2 =	vsel vm15, v1, v2;
	_ =	sdelay $0x4  }
0x4f: {  	s25 =	simm.s32 $0x100;
	s26 =	smov.u32 s13;
	[tilespmem:v2+s21+$0x0] =	vst.idx.msk $0xffff, v3  }
0x50: {  	[hbm4b:s11+s17] =	stream.strided.scatter [tilespmem:s21], [sflag:$0x2], $0xC100, s18, s17, $0x38;
	[tilespmem:$0x18500] =	vst v63  }
.LBB2_4:
0x51: {  	_ =	swait.ge [sflag:s22], $0xC100  }
0x52: {  	[sflag:s22] =	ssyncset.done $0x0  }
0x53: {  	[sflag:s22] =	ssyncadd.s32 $0xFFFF3F00  }
0x54: {  	v2 =	vld [tilespmem:$0x18300];
	_ =	sdelay $0x4  }
0x55: {  	vm0 =	veq.s32 v2, $0xC100  }
0x56: {  	v2 =	vsel vm0, v1, v2;
	_ =	sdelay $0x4  }
0x57: {  	[tilespmem:v2+s3+$0x0] =	vst.idx.msk $0xffff, v0  }
0x58: {  	v2 =	vld [tilespmem:$0x18310];
	_ =	sdelay $0x4  }
0x59: {  	vm9 =	veq.s32 v2, $0xC100  }
0x5a: {  	v2 =	vsel vm9, v1, v2;
	_ =	sdelay $0x4  }
0x5b: {  	[tilespmem:v2+s3+$0x0] =	vst.idx.msk $0xffff, v0  }
0x5c: {  	v2 =	vld [tilespmem:$0x18320];
	_ =	sdelay $0x4  }
0x5d: {  	vm10 =	veq.s32 v2, $0xC100  }
0x5e: {  	v2 =	vsel vm10, v1, v2;
	_ =	sdelay $0x4  }
0x5f: {  	[tilespmem:v2+s3+$0x0] =	vst.idx.msk $0xffff, v0  }
0x60: {  	v2 =	vld [tilespmem:$0x18330];
	_ =	sdelay $0x4  }
0x61: {  	vm11 =	veq.s32 v2, $0xC100  }
0x62: {  	v2 =	vsel vm11, v1, v2;
	_ =	sdelay $0x4  }
0x63: {  	[tilespmem:v2+s3+$0x0] =	vst.idx.msk $0xffff, v0  }
0x64: {  	v2 =	vld [tilespmem:$0x18340];
	_ =	sdelay $0x4  }
0x65: {  	vm12 =	veq.s32 v2, $0xC100  }
0x66: {  	v2 =	vsel vm12, v1, v2  }
0x67: {  	s30 =	sshrl.u32 s26, $0x3  }
0x68: {  	s28 =	sand.u32 $0x300, s25;
	s29 =	sshll.u32 s30, $0xA  }
0x69: {  	s31 =	sor.u32 s28, s29  }
0x6a: {  	s31 =	sshrl.u32 s31, $0x3  }
0x6b: {  	s0 =	sadd.s32 s5, s31;
	[tilespmem:v2+s3+$0x0] =	vst.idx.msk $0xffff, v0  }
0x6c: {  	[tilespmem:s14], [sflag:$0x3] =	stream.linear.gather [hbm4b:s0+s3], $0x80, $0x38;
	[tilespmem:$0x18500] =	vst v63  }
0x6d: {  	_ =	swait.ge [sflag:s15], $0x80  }
0x6e: {  	[sflag:s15] =	ssyncset.done $0x0  }
0x6f: {  	s31 =	sadd.s32 s4, s31;
	[sflag:s15] =	ssyncadd.s32 $0xFFFFFF80  }
0x70: {  	[tilespmem:s16], [sflag:$0x3] =	stream.linear.gather [hbm4b:s31+s3], $0x80, $0x38;
	[tilespmem:$0x18500] =	vst v63  }
0x71: {  	_ =	swait.ge [sflag:s15], $0x80  }
0x72: {  	[sflag:s15] =	ssyncset.done $0x0  }
0x73: {  	[sflag:s15] =	ssyncadd.s32 $0xFFFFFF80  }
0x74: {  	v2 =	vld [tilespmem:$0x18300];
	_ =	sdelay $0x4  }
0x75: {  	vm13 =	veq.s32 v2, $0xC100  }
0x76: {  	v3 =	vld [tilespmem:$0x18400];
	v2 =	vsel vm13, v1, v2;
	_ =	sdelay $0x4  }
0x77: {  	[tilespmem:v2+s3+$0x0] =	vst.idx.msk $0xffff, v3  }
0x78: {  	v2 =	vld [tilespmem:$0x18310];
	_ =	sdelay $0x4  }
0x79: {  	vm14 =	veq.s32 v2, $0xC100  }
0x7a: {  	v3 =	vld [tilespmem:$0x18410];
	v2 =	vsel vm14, v1, v2;
	_ =	sdelay $0x4  }
0x7b: {  	[tilespmem:v2+s3+$0x0] =	vst.idx.msk $0xffff, v3  }
0x7c: {  	v2 =	vld [tilespmem:$0x18320];
	_ =	sdelay $0x4  }
0x7d: {  	vm15 =	veq.s32 v2, $0xC100  }
0x7e: {  	v3 =	vld [tilespmem:$0x18420];
	v2 =	vsel vm15, v1, v2;
	_ =	sdelay $0x4  }
0x7f: {  	[tilespmem:v2+s3+$0x0] =	vst.idx.msk $0xffff, v3  }
0x80: {  	v2 =	vld [tilespmem:$0x18330];
	_ =	sdelay $0x4  }
0x81: {  	vm4 =	veq.s32 v2, $0xC100  }
0x82: {  	v3 =	vld [tilespmem:$0x18430];
	v2 =	vsel vm4, v1, v2;
	_ =	sdelay $0x4  }
0x83: {  	[tilespmem:v2+s3+$0x0] =	vst.idx.msk $0xffff, v3  }
0x84: {  	v2 =	vld [tilespmem:$0x18340];
	_ =	sdelay $0x4  }
0x85: {  	vm5 =	veq.s32 v2, $0xC100  }
0x86: {  	v3 =	vld [tilespmem:$0x18440];
	v2 =	vsel vm5, v1, v2  }
0x87: {  	s30 =	smul.u32 $0x60800, s30;
	_ =	sdelay $0x1  }
0x88: {  	s31 =	sor.u32 s28, s30  }
0x89: {  	s0 =	sshrl.u32 s31, $0x3  }
0x8a: {  	s0 =	sadd.s32 s2, s0;
	[tilespmem:v2+s3+$0x0] =	vst.idx.msk $0xffff, v3  }
0x8b: {  	[hbm4b:s0+s17] =	stream.strided.scatter [tilespmem:s3], [sflag:$0x1], $0xC100, s18, s17, $0x38;
	[tilespmem:$0x18500] =	vst v63  }
0x8c: {  	_ =	swait.ge [sflag:s23], $0xC100  }
0x8d: {  	[sflag:s23] =	ssyncset.done $0x0  }
0x8e: {  	[sflag:s23] =	ssyncadd.s32 $0xFFFF3F00  }
0x8f: {  	v2 =	vld [tilespmem:$0x18380];
	_ =	sdelay $0x4  }
0x90: {  	vm6 =	veq.s32 v2, $0xC100  }
0x91: {  	v2 =	vsel vm6, v1, v2;
	_ =	sdelay $0x4  }
0x92: {  	[tilespmem:v2+s21+$0x0] =	vst.idx.msk $0xffff, v0  }
0x93: {  	v2 =	vld [tilespmem:$0x18390];
	_ =	sdelay $0x4  }
0x94: {  	vm7 =	veq.s32 v2, $0xC100  }
0x95: {  	v2 =	vsel vm7, v1, v2;
	_ =	sdelay $0x4  }
0x96: {  	[tilespmem:v2+s21+$0x0] =	vst.idx.msk $0xffff, v0  }
0x97: {  	v2 =	vld [tilespmem:$0x183A0];
	_ =	sdelay $0x4  }
0x98: {  	vm8 =	veq.s32 v2, $0xC100  }
0x99: {  	v2 =	vsel vm8, v1, v2;
	_ =	sdelay $0x4  }
0x9a: {  	[tilespmem:v2+s21+$0x0] =	vst.idx.msk $0xffff, v0  }
0x9b: {  	v2 =	vld [tilespmem:$0x183B0];
	_ =	sdelay $0x4  }
0x9c: {  	vm9 =	veq.s32 v2, $0xC100  }
0x9d: {  	v2 =	vsel vm9, v1, v2;
	_ =	sdelay $0x4  }
0x9e: {  	[tilespmem:v2+s21+$0x0] =	vst.idx.msk $0xffff, v0  }
0x9f: {  	v2 =	vld [tilespmem:$0x183C0];
	_ =	sdelay $0x4  }
0xa0: {  	vm10 =	veq.s32 v2, $0xC100  }
0xa1: {  	v2 =	vsel vm10, v1, v2;
	_ =	sdelay $0x1  }
0xa2: {  	s0 =	sor.u32 $0x80, s28  }
0xa3: {  	s28 =	sor.u32 s0, s29  }
0xa4: {  	s28 =	sshrl.u32 s28, $0x3  }
0xa5: {  	s31 =	sadd.s32 s5, s28;
	[tilespmem:v2+s21+$0x0] =	vst.idx.msk $0xffff, v0  }
0xa6: {  	[tilespmem:s19], [sflag:$0x3] =	stream.linear.gather [hbm4b:s31+s3], $0x80, $0x38;
	[tilespmem:$0x18500] =	vst v63  }
0xa7: {  	_ =	swait.ge [sflag:s15], $0x80  }
0xa8: {  	[sflag:s15] =	ssyncset.done $0x0  }
0xa9: {  	s28 =	sadd.s32 s4, s28;
	[sflag:s15] =	ssyncadd.s32 $0xFFFFFF80  }
0xaa: {  	[tilespmem:s20], [sflag:$0x3] =	stream.linear.gather [hbm4b:s28+s3], $0x80, $0x38;
	[tilespmem:$0x18500] =	vst v63  }
0xab: {  	_ =	swait.ge [sflag:s15], $0x80  }
0xac: {  	[sflag:s15] =	ssyncset.done $0x0  }
0xad: {  	[sflag:s15] =	ssyncadd.s32 $0xFFFFFF80  }
0xae: {  	v2 =	vld [tilespmem:$0x18380];
	_ =	sdelay $0x4  }
0xaf: {  	vm11 =	veq.s32 v2, $0xC100  }
0xb0: {  	v3 =	vld [tilespmem:$0x18480];
	v2 =	vsel vm11, v1, v2;
	_ =	sdelay $0x4  }
0xb1: {  	[tilespmem:v2+s21+$0x0] =	vst.idx.msk $0xffff, v3  }
0xb2: {  	v2 =	vld [tilespmem:$0x18390];
	_ =	sdelay $0x4  }
0xb3: {  	vm12 =	veq.s32 v2, $0xC100  }
0xb4: {  	v3 =	vld [tilespmem:$0x18490];
	v2 =	vsel vm12, v1, v2;
	_ =	sdelay $0x4  }
0xb5: {  	[tilespmem:v2+s21+$0x0] =	vst.idx.msk $0xffff, v3  }
0xb6: {  	v2 =	vld [tilespmem:$0x183A0];
	_ =	sdelay $0x4  }
0xb7: {  	vm13 =	veq.s32 v2, $0xC100  }
0xb8: {  	v3 =	vld [tilespmem:$0x184A0];
	v2 =	vsel vm13, v1, v2;
	_ =	sdelay $0x4  }
0xb9: {  	[tilespmem:v2+s21+$0x0] =	vst.idx.msk $0xffff, v3  }
0xba: {  	v2 =	vld [tilespmem:$0x183B0];
	_ =	sdelay $0x4  }
0xbb: {  	vm14 =	veq.s32 v2, $0xC100  }
0xbc: {  	v3 =	vld [tilespmem:$0x184B0];
	v2 =	vsel vm14, v1, v2;
	_ =	sdelay $0x4  }
0xbd: {  	[tilespmem:v2+s21+$0x0] =	vst.idx.msk $0xffff, v3  }
0xbe: {  	v2 =	vld [tilespmem:$0x183C0];
	_ =	sdelay $0x4  }
0xbf: {  	vm15 =	veq.s32 v2, $0xC100  }
0xc0: {  	v3 =	vld [tilespmem:$0x184C0];
	v2 =	vsel vm15, v1, v2  }
0xc1: {  	p0 =	sne.s32 s25, $0xF00  }
.Ltmp1:
0xc2: {  	_ = 	snop;
	(pc) =	sbr.rel @p0 .LBB2_4-.Ltmp1, $4  }
0xc3: {  	s0 =	sor.u32 s0, s30  }
0xc4: {  	s0 =	sshrl.u32 s0, $0x3  }
0xc5: {  	s26 =	sadd.s32 $0x2, s26;
	s25 =	sadd.s32 $0x100, s25;
	s0 =	sadd.s32 s2, s0;
	[tilespmem:v2+s21+$0x0] =	vst.idx.msk $0xffff, v3  }
0xc6: {  	[hbm4b:s0+s17] =	stream.strided.scatter [tilespmem:s21], [sflag:$0x2], $0xC100, s18, s17, $0x38;
	[tilespmem:$0x18500] =	vst v63  }
0xc7: {  	s24 =	sadd.s32 $0x1, s24  }
0xc8: {  	_ =	swait.ge [sflag:s22], $0xC100;
	p0 =	sne.s32 s24, s12  }
.Ltmp2:
0xc9: {  	[sflag:s22] =	ssyncset.done $0x0;
	(pc) =	sbr.rel @p0 .LBB2_1-.Ltmp2, $4  }
0xca: {  	[sflag:s22] =	ssyncadd.s32 $0xFFFF3F00  }
0xcb: {  	_ =	swait.ge [sflag:s23], $0xC100  }
0xcc: {  	[sflag:s23] =	ssyncset.done $0x0  }
0xcd: {  	[sflag:s23] =	ssyncadd.s32 $0xFFFF3F00  }
0xce: {  	_ =	sfence.sel $0x180000  }
0xcf: {  	[bflag:$0x0] =	sbarrier.arrive $0xFFFF  }
0xd0: {  	_ =	strace $0x90000047  }
0xd1: {  	[bflag:$0x2] =	sbarrier.arrive $0xFFFF  }
0xd2: {  	p0 =	sne.s32 s1, $0x0;
	s0 =	rddreg [dreg:$0x2]  }
0xd3: {  	s0 =	sadd.s32 @!p0 $0x100000, s0  }
0xd4: {  	[sflag:s0] =	ssyncadd.tile.s32 @!p0 $0x1;
	_ =	shalt  }
.Lfunc_end2:
_tile_overlayer_lowered:
.L_overlay_start_2:
0xd5: {  	(tag) =	ssettag $0x2  }
0xd6: {  	s0 =	rddreg [dreg:$0x0];
	s2 =	stileid.u32  }
0xd7: {  	s1 =	rddreg [dreg:$0x1];
	p0 =	sne.s32 s2, $0x0  }
0xd8: {  	s3 =	rddreg [dreg:$0x2];
	[bflag:$0x3] =	sbarrier.arrive $0xFFFF;
	s2 =	simm.s32 @!p0 $0x1C03  }
0xd9: {  	[timem:s3], [sflag:s2] =	dma.local @!p0 [hbm:s0], s1  }
0xda: {  	s0 =	simm.s32 @!p0 $0x3  }
0xdb: {  	_ =	swait.ge @!p0 [sflag:s0], s1  }
0xdc: {  	s1 =	ssub.s32 @!p0 $0x0, s1;
	[sflag:s0] =	ssyncset.done @!p0 $0x0  }
0xdd: {  	[sflag:s0] =	ssyncadd.s32 @!p0 s1  }
0xde: {  	[bflag:$0x3] =	sbarrier.arrive $0xFFFF  }
0xdf: {  	_ =	shalt  }

</sc_bundles>
